<compile_context>
chip_gen: v7x
topology: tpu7x:2x2x1
jax: 0.10.2.dev20260603
libtpu: 0.0.44.dev20260713+nightly
codegen_flags: <defaults>
</compile_context>

<pallas_src>
import functools

import jax
import jax.numpy as jnp
from jax import lax
from jax.experimental import pallas as pl
from jax.experimental.pallas import tpu as pltpu
from jax.experimental.pallas import tpu_sc as plsc

N = 4096
H = 768
E = 64
K = 2
MOE_FF = 768
FF = 1536

TM = 256
NT_PAD = (N * K) // TM + E
NP = NT_PAD * TM

TR = 512
TB = 256
TC_ = 512


def _router_body(x_ref, gw_ref, logits_ref, topv_ref, topi_ref, counts_ref,
                 acc_ref):
    i = pl.program_id(0)

    @pl.when(i == 0)
    def _():
        acc_ref[...] = jnp.zeros_like(acc_ref)

    x = x_ref[...]
    gw = gw_ref[...]
    logits = lax.dot_general(x, gw, (((1,), (1,)), ((), ())),
                             preferred_element_type=jnp.float32)
    logits_ref[...] = logits
    m = jnp.max(logits, axis=1, keepdims=True)
    p = jnp.exp(logits - m)
    probs = p / jnp.sum(p, axis=1, keepdims=True)
    cols = lax.broadcasted_iota(jnp.int32, probs.shape, 1)
    v1 = jnp.max(probs, axis=1, keepdims=True)
    i1 = jnp.min(jnp.where(probs == v1, cols, E), axis=1, keepdims=True)
    probs2 = jnp.where(cols == i1, -1.0, probs)
    v2 = jnp.max(probs2, axis=1, keepdims=True)
    i2 = jnp.min(jnp.where(probs2 == v2, cols, E), axis=1, keepdims=True)
    topv_ref[...] = jnp.concatenate([v1, v2], axis=1)
    topi_ref[...] = jnp.concatenate([i1, i2], axis=1)
    oh = ((cols == i1).astype(jnp.float32) + (cols == i2).astype(jnp.float32))
    acc_ref[...] = acc_ref[...] + jnp.sum(oh, axis=0, keepdims=True)
    counts_ref[...] = jnp.broadcast_to(acc_ref[...], counts_ref.shape)


def _router(x, gate_w):
    return pl.pallas_call(
        _router_body,
        grid=(N // TR,),
        in_specs=[
            pl.BlockSpec((TR, H), lambda i: (i, 0)),
            pl.BlockSpec((E, H), lambda i: (0, 0)),
        ],
        out_specs=[
            pl.BlockSpec((TR, E), lambda i: (i, 0)),
            pl.BlockSpec((TR, K), lambda i: (i, 0)),
            pl.BlockSpec((TR, K), lambda i: (i, 0)),
            pl.BlockSpec((8, E), lambda i: (0, 0)),
        ],
        out_shape=[
            jax.ShapeDtypeStruct((N, E), jnp.float32),
            jax.ShapeDtypeStruct((N, K), jnp.float32),
            jax.ShapeDtypeStruct((N, K), jnp.int32),
            jax.ShapeDtypeStruct((8, E), jnp.float32),
        ],
        scratch_shapes=[pltpu.VMEM((1, E), jnp.float32)],
        interpret=False,
    )(x, gate_w)


def _meta_body(topi_ref, counts_ref, ppos_ref, packed_ref, carry_ref,
               pstart_ref):
    s = pl.program_id(0)

    @pl.when(s == 0)
    def _():
        counts = counts_ref[0:1, :]
        counts_i = counts.astype(jnp.int32)
        tiles_i = (counts_i + (TM - 1)) // TM
        tiles_f = tiles_i.astype(jnp.float32)
        r64 = lax.broadcasted_iota(jnp.int32, (E, E), 0)
        c64 = lax.broadcasted_iota(jnp.int32, (E, E), 1)
        incl = (r64 <= c64).astype(jnp.float32)
        cum = lax.dot_general(tiles_f, incl, (((1,), (0,)), ((), ())),
                              preferred_element_type=jnp.float32)
        pstart_ref[...] = (cum - tiles_f) * TM
        carry_ref[...] = jnp.zeros_like(carry_ref)
        jrow = lax.broadcasted_iota(
            jnp.int32, (NT_PAD + 8, E), 0).astype(jnp.float32)
        te = jnp.sum((cum <= jrow).astype(jnp.float32), axis=1, keepdims=True)
        te = jnp.minimum(te, E - 1)
        total = jnp.sum(tiles_f)
        rid = lax.broadcasted_iota(jnp.int32, (NT_PAD + 8, 1), 0)
        packed_ref[...] = jnp.where(rid == NT_PAD, total, te).astype(jnp.int32)

    blk = topi_ref[...]
    e0 = blk[:, 0:1]
    e1 = blk[:, 1:2]
    lanes = lax.broadcasted_iota(jnp.int32, (TB, E), 1)
    oh0 = (lanes == e0).astype(jnp.float32)
    oh1 = (lanes == e1).astype(jnp.float32)
    r = lax.broadcasted_iota(jnp.int32, (TB, TB), 0)
    c = lax.broadcasted_iota(jnp.int32, (TB, TB), 1)
    ls = (c < r).astype(jnp.float32)
    base = carry_ref[...] + pstart_ref[...]
    rank0 = lax.dot_general(ls, oh0, (((1,), (0,)), ((), ())),
                            preferred_element_type=jnp.float32)
    pos0 = jnp.sum((rank0 + base) * oh0, axis=1, keepdims=True)
    sum0 = jnp.sum(oh0, axis=0, keepdims=True)
    rank1 = lax.dot_general(ls, oh1, (((1,), (0,)), ((), ())),
                            preferred_element_type=jnp.float32)
    pos1 = jnp.sum((rank1 + base + sum0) * oh1, axis=1, keepdims=True)
    ppos_ref[...] = jnp.concatenate([pos0, pos1], axis=0).astype(jnp.int32)
    carry_ref[...] = (carry_ref[...] + sum0
                      + jnp.sum(oh1, axis=0, keepdims=True))


def _meta(topi, counts8):
    return pl.pallas_call(
        _meta_body,
        grid=(N // TB,),
        in_specs=[
            pl.BlockSpec((TB, K), lambda s: (s, 0)),
            pl.BlockSpec((8, E), lambda s: (0, 0)),
        ],
        out_specs=[
            pl.BlockSpec((2 * TB, 1), lambda s: (s, 0)),
            pl.BlockSpec((NT_PAD + 8, 1), lambda s: (0, 0)),
        ],
        out_shape=[
            jax.ShapeDtypeStruct((N * K, 1), jnp.int32),
            jax.ShapeDtypeStruct((NT_PAD + 8, 1), jnp.int32),
        ],
        scratch_shapes=[pltpu.VMEM((1, E), jnp.float32),
                        pltpu.VMEM((1, E), jnp.float32)],
        interpret=False,
    )(topi, counts8)


CHUNK = 64
NCHUNK = (N * K) // CHUNK
NW = 32
CPW = NCHUNK // NW


def _dispatch_body(x_hbm, ppos_hbm, out_hbm, idx0, idx1, rows0, rows1,
                   sem0, sem1):
    wid = lax.axis_index("s") * 2 + lax.axis_index("c")
    idx = (idx0, idx1)
    rows = (rows0, rows1)
    sems = (sem0, sem1)
    pending = [None, None]
    for c in range(CPW):
        b = c % 2
        if pending[b] is not None:
            pending[b].wait()
        g = wid * CPW + c
        a0 = g * CHUNK
        t0 = (a0 // (K * TB)) * TB + (a0 % (K * TB)) % TB
        t0 = pl.multiple_of(t0, CHUNK)
        pltpu.sync_copy(ppos_hbm.at[g], idx[b])
        pltpu.sync_copy(x_hbm.at[pl.ds(t0, CHUNK)], rows[b])
        pending[b] = pltpu.async_copy(rows[b], out_hbm.at[idx[b]], sems[b])
    for p in pending:
        if p is not None:
            p.wait()


def _dispatch(x, ppos_r):
    fn = pl.kernel(
        _dispatch_body,
        mesh=plsc.VectorSubcoreMesh(core_axis_name="c", subcore_axis_name="s"),
        out_type=jax.ShapeDtypeStruct((NP, H), jnp.float32),
        scratch_types=[
            pltpu.VMEM((CHUNK,), jnp.int32),
            pltpu.VMEM((CHUNK,), jnp.int32),
            pltpu.VMEM((CHUNK, H), jnp.float32),
            pltpu.VMEM((CHUNK, H), jnp.float32),
            pltpu.SemaphoreType.DMA,
            pltpu.SemaphoreType.DMA,
        ],
    )
    return fn(x, ppos_r)


def _gmm_body(tile_eid_ref, ntiles_ref, x_ref, wg_ref, wu_ref, wd_ref, y_ref):
    i = pl.program_id(0)

    @pl.when(i < ntiles_ref[0])
    def _():
        x = x_ref[...].astype(jnp.bfloat16)
        g = lax.dot_general(x, wg_ref[0].astype(jnp.bfloat16),
                            (((1,), (1,)), ((), ())),
                            preferred_element_type=jnp.float32)
        u = lax.dot_general(x, wu_ref[0].astype(jnp.bfloat16),
                            (((1,), (1,)), ((), ())),
                            preferred_element_type=jnp.float32)
        h = (g * jax.nn.sigmoid(g) * u).astype(jnp.bfloat16)
        y_ref[...] = lax.dot_general(h, wd_ref[0].astype(jnp.bfloat16),
                                     (((1,), (1,)), ((), ())),
                                     preferred_element_type=jnp.float32)


def _gmm(x_sorted, wg, wu, wd, tile_eid, ntiles):
    def _ci(i, nt):
        return jnp.minimum(i, nt[0] - 1)

    grid_spec = pltpu.PrefetchScalarGridSpec(
        num_scalar_prefetch=2,
        grid=(NT_PAD,),
        in_specs=[
            pl.BlockSpec((TM, H), lambda i, eid, nt: (_ci(i, nt), 0)),
            pl.BlockSpec((1, MOE_FF, H),
                         lambda i, eid, nt: (eid[_ci(i, nt)], 0, 0)),
            pl.BlockSpec((1, MOE_FF, H),
                         lambda i, eid, nt: (eid[_ci(i, nt)], 0, 0)),
            pl.BlockSpec((1, H, MOE_FF),
                         lambda i, eid, nt: (eid[_ci(i, nt)], 0, 0)),
        ],
        out_specs=pl.BlockSpec((TM, H), lambda i, eid, nt: (_ci(i, nt), 0)),
    )
    return pl.pallas_call(
        _gmm_body,
        grid_spec=grid_spec,
        out_shape=jax.ShapeDtypeStruct((NP, H), jnp.float32),
        interpret=False,
    )(tile_eid, ntiles, x_sorted, wg, wu, wd)


def _shexp_body(x_ref, sg_ref, su_ref, sd_ref, seg_ref, out_ref):
    x = x_ref[...]
    xb = x.astype(jnp.bfloat16)
    g = lax.dot_general(xb, sg_ref[...].astype(jnp.bfloat16),
                        (((1,), (1,)), ((), ())),
                        preferred_element_type=jnp.float32)
    u = lax.dot_general(xb, su_ref[...].astype(jnp.bfloat16),
                        (((1,), (1,)), ((), ())),
                        preferred_element_type=jnp.float32)
    h = (g * jax.nn.sigmoid(g) * u).astype(jnp.bfloat16)
    sh = lax.dot_general(h, sd_ref[...].astype(jnp.bfloat16),
                         (((1,), (1,)), ((), ())),
                         preferred_element_type=jnp.float32)
    gate = jax.nn.sigmoid(
        lax.dot_general(x, seg_ref[...], (((1,), (1,)), ((), ())),
                        preferred_element_type=jnp.float32))
    out_ref[...] = gate * sh


def _shexp(x, sg, su, sd, seg):
    return pl.pallas_call(
        _shexp_body,
        grid=(N // TC_,),
        in_specs=[
            pl.BlockSpec((TC_, H), lambda i: (i, 0)),
            pl.BlockSpec((FF, H), lambda i: (0, 0)),
            pl.BlockSpec((FF, H), lambda i: (0, 0)),
            pl.BlockSpec((H, FF), lambda i: (0, 0)),
            pl.BlockSpec((1, H), lambda i: (0, 0)),
        ],
        out_specs=pl.BlockSpec((TC_, H), lambda i: (i, 0)),
        out_shape=jax.ShapeDtypeStruct((N, H), jnp.float32),
        interpret=False,
    )(x, sg, su, sd, seg)


def _combine_body(y0_ref, y1_ref, topv_ref, shg_ref, out_ref):
    topv = topv_ref[...]
    out_ref[...] = (topv[:, 0:1] * y0_ref[...] + topv[:, 1:2] * y1_ref[...]
                    + shg_ref[...])


def _combine(y0, y1, topv, shg):
    return pl.pallas_call(
        _combine_body,
        grid=(N // TC_,),
        in_specs=[
            pl.BlockSpec((TC_, H), lambda i: (i, 0)),
            pl.BlockSpec((TC_, H), lambda i: (i, 0)),
            pl.BlockSpec((TC_, K), lambda i: (i, 0)),
            pl.BlockSpec((TC_, H), lambda i: (i, 0)),
        ],
        out_specs=pl.BlockSpec((TC_, H), lambda i: (i, 0)),
        out_shape=jax.ShapeDtypeStruct((N, H), jnp.float32),
        interpret=False,
    )(y0, y1, topv, shg)


def kernel(hidden_states, gate_w, expert_gate_w, expert_up_w, expert_down_w,
           shared_gate_w, shared_up_w, shared_down_w, shared_expert_gate_w):
    Bv, Sv, Hd = hidden_states.shape
    x = hidden_states.reshape(-1, Hd)

    logits, topv, topi, counts8 = _router(x, gate_w)
    ppos_col, packed = _meta(topi, counts8)

    ppos_r = ppos_col.reshape(N // TB, K, TB)
    p0 = ppos_r[:, 0, :].reshape(N)
    p1 = ppos_r[:, 1, :].reshape(N)
    tile_eid = packed[:NT_PAD, 0]
    ntiles = packed[NT_PAD:NT_PAD + 1, 0]

    x_sorted = _dispatch(x, ppos_col.reshape(NCHUNK, CHUNK))
    y_sorted = _gmm(x_sorted, expert_gate_w, expert_up_w, expert_down_w,
                    tile_eid, ntiles)
    y0 = y_sorted[p0]
    y1 = y_sorted[p1]
    shg = _shexp(x, shared_gate_w, shared_up_w, shared_down_w,
                 shared_expert_gate_w)

    final = _combine(y0, y1, topv, shg)
    return final.reshape(Bv, Sv, Hd), logits

# --- scband reference (transcript-rebuilt; emitter-appended) ---
"""Pipeline reference for scband-time-moe-sparse-experts-layer-49469433315533 (READ-ONLY COPY).

The authoritative reference and input builder live on the scoring server;
editing this copy changes nothing except your own understanding.
"""

import jax, jax.numpy as jnp
import numpy as np

B, S, H = 2, 2048, 768
E, K = 64, 2
FF = 1536
MOE_FF = FF // K  # 768


def setup_inputs(seed: int = 0) -> dict:
    key = jax.random.key(seed)
    ks = jax.random.split(key, 10)
    scale = 0.02
    hidden_states = jax.random.normal(ks[0], (B, S, H), dtype=jnp.float32)
    gate_w = jax.random.normal(ks[1], (E, H), dtype=jnp.float32) * scale
    expert_gate_w = jax.random.normal(ks[2], (E, MOE_FF, H), dtype=jnp.float32) * scale
    expert_up_w = jax.random.normal(ks[3], (E, MOE_FF, H), dtype=jnp.float32) * scale
    expert_down_w = jax.random.normal(ks[4], (E, H, MOE_FF), dtype=jnp.float32) * scale
    shared_gate_w = jax.random.normal(ks[5], (FF, H), dtype=jnp.float32) * scale
    shared_up_w = jax.random.normal(ks[6], (FF, H), dtype=jnp.float32) * scale
    shared_down_w = jax.random.normal(ks[7], (H, FF), dtype=jnp.float32) * scale
    shared_expert_gate_w = jax.random.normal(ks[8], (1, H), dtype=jnp.float32) * scale
    return {
        'hidden_states': hidden_states,
        'gate_w': gate_w,
        'expert_gate_w': expert_gate_w,
        'expert_up_w': expert_up_w,
        'expert_down_w': expert_down_w,
        'shared_gate_w': shared_gate_w,
        'shared_up_w': shared_up_w,
        'shared_down_w': shared_down_w,
        'shared_expert_gate_w': shared_expert_gate_w,
    }


def reference(hidden_states, gate_w, expert_gate_w, expert_up_w, expert_down_w,
              shared_gate_w, shared_up_w, shared_down_w, shared_expert_gate_w):
    Bv, Sv, Hd = hidden_states.shape
    x = hidden_states.reshape(-1, Hd)
    router_logits = x @ gate_w.T
    routing_weights = jax.nn.softmax(router_logits.astype(jnp.float32), axis=1)
    topv, topi = jax.lax.top_k(routing_weights, K)
    topv = topv.astype(x.dtype)
    final = jnp.zeros_like(x)
    num_experts = expert_gate_w.shape[0]
    for e in range(num_experts):
        w = jnp.sum(topv * (topi == e).astype(topv.dtype), axis=1)
        g = jax.nn.silu(x @ expert_gate_w[e].T)
        u = x @ expert_up_w[e].T
        out = (g * u) @ expert_down_w[e].T
        out = out * w[:, None]
        final = final + out
    shared = jax.nn.silu(x @ shared_gate_w.T) * (x @ shared_up_w.T)
    shared = shared @ shared_down_w.T
    shared = jax.nn.sigmoid(x @ shared_expert_gate_w.T) * shared
    final = final + shared
    return final.reshape(Bv, Sv, Hd), router_logits

if __name__ == "__main__":
    import jax
    _d = setup_inputs()
    print(jax.jit(kernel)(*tuple(_d.values())))

</pallas_src>

<mosaic_0001>
#map = affine_map<(d0, d1) -> (0, 0)>
module attributes {stable_mosaic.version = 14 : i64} {
  func.func @_dispatch_body(%arg0: i32, %arg1: i32, %arg2: memref<4096x768xf32, #tpu.memory_space<hbm>>, %arg3: memref<128x64xi32, #tpu.memory_space<hbm>>, %arg4: memref<24576x768xf32, #tpu.memory_space<hbm>>, %arg5: memref<64xi32, #tpu.memory_space<vmem>>, %arg6: memref<64xi32, #tpu.memory_space<vmem>>, %arg7: memref<64x768xf32, #tpu.memory_space<vmem>>, %arg8: memref<64x768xf32, #tpu.memory_space<vmem>>, %arg9: memref<!tpu.dma_semaphore, #tpu.memory_space<semaphore_mem>>, %arg10: memref<!tpu.dma_semaphore, #tpu.memory_space<semaphore_mem>>) attributes {dimension_semantics = [#tpu.dimension_semantics<core_parallel>, #tpu.dimension_semantics<subcore_parallel>], iteration_bounds = array<i64: 2, 16>, scalar_prefetch = 0 : i64, scratch_operands = 6 : i64, tpu.core_type = #tpu.core_type<sc_vector_subcore>, window_params = [{transform_indices = #map}, {transform_indices = #map}, {transform_indices = #map}]} {
    %mul3A = arith.constant 2 : i32
    %mul3A_0 = arith.muli %arg1, %mul3A : i32
    %add3A = arith.addi %mul3A_0, %arg0 : i32
    %mul3A_1 = arith.constant 4 : i32
    %mul3A_2 = arith.muli %add3A, %mul3A_1 : i32
    %add3A_3 = arith.constant 0 : i32
    %add3A_4 = arith.addi %mul3A_2, %add3A_3 : i32
    %mul3A_5 = arith.constant 64 : i32
    %mul3A_6 = arith.muli %add3A_4, %mul3A_5 : i32
    %jit3A = arith.constant 512 : i32
    %div3A = arith.divsi %mul3A_6, %jit3A : i32
    %sign3A = arith.constant 0 : i32
    %sign3A_7 = arith.cmpi sgt, %mul3A_6, %sign3A : i32
    %sign3A_8 = arith.extui %sign3A_7 : i1 to i32
    %sign3A_9 = arith.constant 0 : i32
    %sign3A_10 = arith.cmpi slt, %mul3A_6, %sign3A_9 : i32
    %sign3A_11 = arith.extui %sign3A_10 : i1 to i32
    %sign3A_12 = arith.subi %sign3A_8, %sign3A_11 : i32
    %sign3A_13 = arith.constant 0 : i32
    %sign3A_14 = arith.cmpi sgt, %jit3A, %sign3A_13 : i32
    %sign3A_15 = arith.extui %sign3A_14 : i1 to i32
    %sign3A_16 = arith.constant 0 : i32
    %sign3A_17 = arith.cmpi slt, %jit3A, %sign3A_16 : i32
    %sign3A_18 = arith.extui %sign3A_17 : i1 to i32
    %sign3A_19 = arith.subi %sign3A_15, %sign3A_18 : i32
    %ne3A = arith.cmpi ne, %sign3A_12, %sign3A_19 : i32
    %rem3A = arith.remsi %mul3A_6, %jit3A : i32
    %ne3A_20 = arith.constant 0 : i32
    %ne3A_21 = arith.cmpi ne, %rem3A, %ne3A_20 : i32
    %and3A = arith.andi %ne3A, %ne3A_21 : i1
    %sub3A = arith.constant 1 : i32
    %sub3A_22 = arith.subi %div3A, %sub3A : i32
    %select_n3A = arith.select %and3A, %sub3A_22, %div3A : i32
    %mul3A_23 = arith.constant 256 : i32
    %mul3A_24 = arith.muli %select_n3A, %mul3A_23 : i32
    %jit3A_25 = arith.constant 512 : i32
    %eq3A = arith.constant 0 : i32
    %eq3A_26 = arith.cmpi eq, %jit3A_25, %eq3A : i32
    %jit3A_27 = arith.constant 1 : i32
    %select_n3A_28 = arith.select %eq3A_26, %jit3A_27, %jit3A_25 : i32
    %rem3A_29 = arith.remsi %mul3A_6, %select_n3A_28 : i32
    %ne3A_30 = arith.constant 0 : i32
    %ne3A_31 = arith.cmpi ne, %rem3A_29, %ne3A_30 : i32
    %lt3A = arith.constant 0 : i32
    %lt3A_32 = arith.cmpi slt, %rem3A_29, %lt3A : i32
    %lt3A_33 = arith.constant 0 : i32
    %lt3A_34 = arith.cmpi slt, %select_n3A_28, %lt3A_33 : i32
    %ne3A_35 = arith.xori %lt3A_32, %lt3A_34 : i1
    %and3A_36 = arith.andi %ne3A_35, %ne3A_31 : i1
    %add3A_37 = arith.addi %rem3A_29, %select_n3A_28 : i32
    %select_n3A_38 = arith.select %and3A_36, %add3A_37, %rem3A_29 : i32
    %jit3A_39 = arith.constant 256 : i32
    %eq3A_40 = arith.constant 0 : i32
    %eq3A_41 = arith.cmpi eq, %jit3A_39, %eq3A_40 : i32
    %jit3A_42 = arith.constant 1 : i32
    %select_n3A_43 = arith.select %eq3A_41, %jit3A_42, %jit3A_39 : i32
    %rem3A_44 = arith.remsi %select_n3A_38, %select_n3A_43 : i32
    %ne3A_45 = arith.constant 0 : i32
    %ne3A_46 = arith.cmpi ne, %rem3A_44, %ne3A_45 : i32
    %lt3A_47 = arith.constant 0 : i32
    %lt3A_48 = arith.cmpi slt, %rem3A_44, %lt3A_47 : i32
    %lt3A_49 = arith.constant 0 : i32
    %lt3A_50 = arith.cmpi slt, %select_n3A_43, %lt3A_49 : i32
    %ne3A_51 = arith.xori %lt3A_48, %lt3A_50 : i1
    %and3A_52 = arith.andi %ne3A_51, %ne3A_46 : i1
    %add3A_53 = arith.addi %rem3A_44, %select_n3A_43 : i32
    %select_n3A_54 = arith.select %and3A_52, %add3A_53, %rem3A_44 : i32
    %add3A_55 = arith.addi %mul3A_24, %select_n3A_54 : i32
    %multiple_of3A = tpu.assume_multiple %add3A_55, 64 : i32
    "tpu.region"() ({
      %run_scoped3A = tpu.sem_alloc : memref<!tpu.dma_semaphore, #tpu.memory_space<semaphore_mem>>
      %dma_start3A_276 = arith.constant 0 : i32
      %dma_start3A_277 = tpu.memref_slice %arg3[%add3A_4, %dma_start3A_276] : memref<128x64xi32, #tpu.memory_space<hbm>> -> memref<1x64xi32, #tpu.memory_space<hbm>>
      %dma_start3A_278 = tpu.memref_squeeze %dma_start3A_277 : memref<1x64xi32, #tpu.memory_space<hbm>> -> memref<64xi32, #tpu.memory_space<hbm>>
      %dma_start3A_279 = arith.constant 0 : i32
      %dma_start3A_280 = tpu.memref_slice %arg3[%add3A_4, %dma_start3A_279] : memref<128x64xi32, #tpu.memory_space<hbm>> -> memref<1x64xi32, #tpu.memory_space<hbm>>
      %dma_start3A_281 = tpu.memref_squeeze %dma_start3A_280 : memref<1x64xi32, #tpu.memory_space<hbm>> -> memref<64xi32, #tpu.memory_space<hbm>>
      tpu.enqueue_dma source(%dma_start3A_281 : memref<64xi32, #tpu.memory_space<hbm>>) target(%arg5 : memref<64xi32, #tpu.memory_space<vmem>>) target_semaphore(%run_scoped3A : memref<!tpu.dma_semaphore, #tpu.memory_space<semaphore_mem>>)
      %dma_wait3A_282 = arith.constant 0 : i32
      %dma_wait3A_283 = tpu.memref_slice %arg3[%add3A_4, %dma_wait3A_282] : memref<128x64xi32, #tpu.memory_space<hbm>> -> memref<1x64xi32, #tpu.memory_space<hbm>>
      %dma_wait3A_284 = tpu.memref_squeeze %dma_wait3A_283 : memref<1x64xi32, #tpu.memory_space<hbm>> -> memref<64xi32, #tpu.memory_space<hbm>>
      %dma_wait3A_285 = arith.constant 0 : i32
      %dma_wait3A_286 = tpu.memref_slice %arg3[%add3A_4, %dma_wait3A_285] : memref<128x64xi32, #tpu.memory_space<hbm>> -> memref<1x64xi32, #tpu.memory_space<hbm>>
      %dma_wait3A_287 = tpu.memref_squeeze %dma_wait3A_286 : memref<1x64xi32, #tpu.memory_space<hbm>> -> memref<64xi32, #tpu.memory_space<hbm>>
      tpu.wait_dma2 semaphore(%run_scoped3A : memref<!tpu.dma_semaphore, #tpu.memory_space<semaphore_mem>>) src(%dma_wait3A_287 : memref<64xi32, #tpu.memory_space<hbm>>) dst(%arg5 : memref<64xi32, #tpu.memory_space<vmem>>)
      tpu.yield
    }) : () -> ()
    "tpu.region"() ({
      %run_scoped3A = tpu.sem_alloc : memref<!tpu.dma_semaphore, #tpu.memory_space<semaphore_mem>>
      %dma_start3A_276 = arith.constant 0 : i32
      %dma_start3A_277 = tpu.memref_slice %arg2[%multiple_of3A, %dma_start3A_276] : memref<4096x768xf32, #tpu.memory_space<hbm>> -> memref<64x768xf32, #tpu.memory_space<hbm>>
      %dma_start3A_278 = arith.constant 0 : i32
      %dma_start3A_279 = tpu.memref_slice %arg2[%multiple_of3A, %dma_start3A_278] : memref<4096x768xf32, #tpu.memory_space<hbm>> -> memref<64x768xf32, #tpu.memory_space<hbm>>
      tpu.enqueue_dma source(%dma_start3A_279 : memref<64x768xf32, #tpu.memory_space<hbm>>) target(%arg7 : memref<64x768xf32, #tpu.memory_space<vmem>>) target_semaphore(%run_scoped3A : memref<!tpu.dma_semaphore, #tpu.memory_space<semaphore_mem>>)
      %dma_wait3A_280 = arith.constant 0 : i32
      %dma_wait3A_281 = tpu.memref_slice %arg2[%multiple_of3A, %dma_wait3A_280] : memref<4096x768xf32, #tpu.memory_space<hbm>> -> memref<64x768xf32, #tpu.memory_space<hbm>>
      %dma_wait3A_282 = arith.constant 0 : i32
      %dma_wait3A_283 = tpu.memref_slice %arg2[%multiple_of3A, %dma_wait3A_282] : memref<4096x768xf32, #tpu.memory_space<hbm>> -> memref<64x768xf32, #tpu.memory_space<hbm>>
      tpu.wait_dma2 semaphore(%run_scoped3A : memref<!tpu.dma_semaphore, #tpu.memory_space<semaphore_mem>>) src(%dma_wait3A_283 : memref<64x768xf32, #tpu.memory_space<hbm>>) dst(%arg7 : memref<64x768xf32, #tpu.memory_space<vmem>>)
      tpu.yield
    }) : () -> ()
    %dma_start3A = arith.constant 0 : i32
    %dma_start3A_56 = arith.constant 0 : i32
    %dma_start3A_57 = tpu.memref_slice %arg4[%dma_start3A, %dma_start3A_56] : memref<24576x768xf32, #tpu.memory_space<hbm>> -> memref<24576x768xf32, #tpu.memory_space<hbm>>
    tpu.enqueue_indirect_dma source(%arg7 : memref<64x768xf32, #tpu.memory_space<vmem>>) target(%dma_start3A_57 : memref<24576x768xf32, #tpu.memory_space<hbm>>) offsets(%arg5 : memref<64xi32, #tpu.memory_space<vmem>>) semaphore(%arg9 : memref<!tpu.dma_semaphore, #tpu.memory_space<semaphore_mem>>)
    %mul3A_58 = arith.constant 4 : i32
    %mul3A_59 = arith.muli %add3A, %mul3A_58 : i32
    %add3A_60 = arith.constant 1 : i32
    %add3A_61 = arith.addi %mul3A_59, %add3A_60 : i32
    %mul3A_62 = arith.constant 64 : i32
    %mul3A_63 = arith.muli %add3A_61, %mul3A_62 : i32
    %jit3A_64 = arith.constant 512 : i32
    %div3A_65 = arith.divsi %mul3A_63, %jit3A_64 : i32
    %sign3A_66 = arith.constant 0 : i32
    %sign3A_67 = arith.cmpi sgt, %mul3A_63, %sign3A_66 : i32
    %sign3A_68 = arith.extui %sign3A_67 : i1 to i32
    %sign3A_69 = arith.constant 0 : i32
    %sign3A_70 = arith.cmpi slt, %mul3A_63, %sign3A_69 : i32
    %sign3A_71 = arith.extui %sign3A_70 : i1 to i32
    %sign3A_72 = arith.subi %sign3A_68, %sign3A_71 : i32
    %sign3A_73 = arith.constant 0 : i32
    %sign3A_74 = arith.cmpi sgt, %jit3A_64, %sign3A_73 : i32
    %sign3A_75 = arith.extui %sign3A_74 : i1 to i32
    %sign3A_76 = arith.constant 0 : i32
    %sign3A_77 = arith.cmpi slt, %jit3A_64, %sign3A_76 : i32
    %sign3A_78 = arith.extui %sign3A_77 : i1 to i32
    %sign3A_79 = arith.subi %sign3A_75, %sign3A_78 : i32
    %ne3A_80 = arith.cmpi ne, %sign3A_72, %sign3A_79 : i32
    %rem3A_81 = arith.remsi %mul3A_63, %jit3A_64 : i32
    %ne3A_82 = arith.constant 0 : i32
    %ne3A_83 = arith.cmpi ne, %rem3A_81, %ne3A_82 : i32
    %and3A_84 = arith.andi %ne3A_80, %ne3A_83 : i1
    %sub3A_85 = arith.constant 1 : i32
    %sub3A_86 = arith.subi %div3A_65, %sub3A_85 : i32
    %select_n3A_87 = arith.select %and3A_84, %sub3A_86, %div3A_65 : i32
    %mul3A_88 = arith.constant 256 : i32
    %mul3A_89 = arith.muli %select_n3A_87, %mul3A_88 : i32
    %jit3A_90 = arith.constant 512 : i32
    %eq3A_91 = arith.constant 0 : i32
    %eq3A_92 = arith.cmpi eq, %jit3A_90, %eq3A_91 : i32
    %jit3A_93 = arith.constant 1 : i32
    %select_n3A_94 = arith.select %eq3A_92, %jit3A_93, %jit3A_90 : i32
    %rem3A_95 = arith.remsi %mul3A_63, %select_n3A_94 : i32
    %ne3A_96 = arith.constant 0 : i32
    %ne3A_97 = arith.cmpi ne, %rem3A_95, %ne3A_96 : i32
    %lt3A_98 = arith.constant 0 : i32
    %lt3A_99 = arith.cmpi slt, %rem3A_95, %lt3A_98 : i32
    %lt3A_100 = arith.constant 0 : i32
    %lt3A_101 = arith.cmpi slt, %select_n3A_94, %lt3A_100 : i32
    %ne3A_102 = arith.xori %lt3A_99, %lt3A_101 : i1
    %and3A_103 = arith.andi %ne3A_102, %ne3A_97 : i1
    %add3A_104 = arith.addi %rem3A_95, %select_n3A_94 : i32
    %select_n3A_105 = arith.select %and3A_103, %add3A_104, %rem3A_95 : i32
    %jit3A_106 = arith.constant 256 : i32
    %eq3A_107 = arith.constant 0 : i32
    %eq3A_108 = arith.cmpi eq, %jit3A_106, %eq3A_107 : i32
    %jit3A_109 = arith.constant 1 : i32
    %select_n3A_110 = arith.select %eq3A_108, %jit3A_109, %jit3A_106 : i32
    %rem3A_111 = arith.remsi %select_n3A_105, %select_n3A_110 : i32
    %ne3A_112 = arith.constant 0 : i32
    %ne3A_113 = arith.cmpi ne, %rem3A_111, %ne3A_112 : i32
    %lt3A_114 = arith.constant 0 : i32
    %lt3A_115 = arith.cmpi slt, %rem3A_111, %lt3A_114 : i32
    %lt3A_116 = arith.constant 0 : i32
    %lt3A_117 = arith.cmpi slt, %select_n3A_110, %lt3A_116 : i32
    %ne3A_118 = arith.xori %lt3A_115, %lt3A_117 : i1
    %and3A_119 = arith.andi %ne3A_118, %ne3A_113 : i1
    %add3A_120 = arith.addi %rem3A_111, %select_n3A_110 : i32
    %select_n3A_121 = arith.select %and3A_119, %add3A_120, %rem3A_111 : i32
    %add3A_122 = arith.addi %mul3A_89, %select_n3A_121 : i32
    %multiple_of3A_123 = tpu.assume_multiple %add3A_122, 64 : i32
    "tpu.region"() ({
      %run_scoped3A = tpu.sem_alloc : memref<!tpu.dma_semaphore, #tpu.memory_space<semaphore_mem>>
      %dma_start3A_276 = arith.constant 0 : i32
      %dma_start3A_277 = tpu.memref_slice %arg3[%add3A_61, %dma_start3A_276] : memref<128x64xi32, #tpu.memory_space<hbm>> -> memref<1x64xi32, #tpu.memory_space<hbm>>
      %dma_start3A_278 = tpu.memref_squeeze %dma_start3A_277 : memref<1x64xi32, #tpu.memory_space<hbm>> -> memref<64xi32, #tpu.memory_space<hbm>>
      %dma_start3A_279 = arith.constant 0 : i32
      %dma_start3A_280 = tpu.memref_slice %arg3[%add3A_61, %dma_start3A_279] : memref<128x64xi32, #tpu.memory_space<hbm>> -> memref<1x64xi32, #tpu.memory_space<hbm>>
      %dma_start3A_281 = tpu.memref_squeeze %dma_start3A_280 : memref<1x64xi32, #tpu.memory_space<hbm>> -> memref<64xi32, #tpu.memory_space<hbm>>
      tpu.enqueue_dma source(%dma_start3A_281 : memref<64xi32, #tpu.memory_space<hbm>>) target(%arg6 : memref<64xi32, #tpu.memory_space<vmem>>) target_semaphore(%run_scoped3A : memref<!tpu.dma_semaphore, #tpu.memory_space<semaphore_mem>>)
      %dma_wait3A_282 = arith.constant 0 : i32
      %dma_wait3A_283 = tpu.memref_slice %arg3[%add3A_61, %dma_wait3A_282] : memref<128x64xi32, #tpu.memory_space<hbm>> -> memref<1x64xi32, #tpu.memory_space<hbm>>
      %dma_wait3A_284 = tpu.memref_squeeze %dma_wait3A_283 : memref<1x64xi32, #tpu.memory_space<hbm>> -> memref<64xi32, #tpu.memory_space<hbm>>
      %dma_wait3A_285 = arith.constant 0 : i32
      %dma_wait3A_286 = tpu.memref_slice %arg3[%add3A_61, %dma_wait3A_285] : memref<128x64xi32, #tpu.memory_space<hbm>> -> memref<1x64xi32, #tpu.memory_space<hbm>>
      %dma_wait3A_287 = tpu.memref_squeeze %dma_wait3A_286 : memref<1x64xi32, #tpu.memory_space<hbm>> -> memref<64xi32, #tpu.memory_space<hbm>>
      tpu.wait_dma2 semaphore(%run_scoped3A : memref<!tpu.dma_semaphore, #tpu.memory_space<semaphore_mem>>) src(%dma_wait3A_287 : memref<64xi32, #tpu.memory_space<hbm>>) dst(%arg6 : memref<64xi32, #tpu.memory_space<vmem>>)
      tpu.yield
    }) : () -> ()
    "tpu.region"() ({
      %run_scoped3A = tpu.sem_alloc : memref<!tpu.dma_semaphore, #tpu.memory_space<semaphore_mem>>
      %dma_start3A_276 = arith.constant 0 : i32
      %dma_start3A_277 = tpu.memref_slice %arg2[%multiple_of3A_123, %dma_start3A_276] : memref<4096x768xf32, #tpu.memory_space<hbm>> -> memref<64x768xf32, #tpu.memory_space<hbm>>
      %dma_start3A_278 = arith.constant 0 : i32
      %dma_start3A_279 = tpu.memref_slice %arg2[%multiple_of3A_123, %dma_start3A_278] : memref<4096x768xf32, #tpu.memory_space<hbm>> -> memref<64x768xf32, #tpu.memory_space<hbm>>
      tpu.enqueue_dma source(%dma_start3A_279 : memref<64x768xf32, #tpu.memory_space<hbm>>) target(%arg8 : memref<64x768xf32, #tpu.memory_space<vmem>>) target_semaphore(%run_scoped3A : memref<!tpu.dma_semaphore, #tpu.memory_space<semaphore_mem>>)
      %dma_wait3A_280 = arith.constant 0 : i32
      %dma_wait3A_281 = tpu.memref_slice %arg2[%multiple_of3A_123, %dma_wait3A_280] : memref<4096x768xf32, #tpu.memory_space<hbm>> -> memref<64x768xf32, #tpu.memory_space<hbm>>
      %dma_wait3A_282 = arith.constant 0 : i32
      %dma_wait3A_283 = tpu.memref_slice %arg2[%multiple_of3A_123, %dma_wait3A_282] : memref<4096x768xf32, #tpu.memory_space<hbm>> -> memref<64x768xf32, #tpu.memory_space<hbm>>
      tpu.wait_dma2 semaphore(%run_scoped3A : memref<!tpu.dma_semaphore, #tpu.memory_space<semaphore_mem>>) src(%dma_wait3A_283 : memref<64x768xf32, #tpu.memory_space<hbm>>) dst(%arg8 : memref<64x768xf32, #tpu.memory_space<vmem>>)
      tpu.yield
    }) : () -> ()
    %dma_start3A_124 = arith.constant 0 : i32
    %dma_start3A_125 = arith.constant 0 : i32
    %dma_start3A_126 = tpu.memref_slice %arg4[%dma_start3A_124, %dma_start3A_125] : memref<24576x768xf32, #tpu.memory_space<hbm>> -> memref<24576x768xf32, #tpu.memory_space<hbm>>
    tpu.enqueue_indirect_dma source(%arg8 : memref<64x768xf32, #tpu.memory_space<vmem>>) target(%dma_start3A_126 : memref<24576x768xf32, #tpu.memory_space<hbm>>) offsets(%arg6 : memref<64xi32, #tpu.memory_space<vmem>>) semaphore(%arg10 : memref<!tpu.dma_semaphore, #tpu.memory_space<semaphore_mem>>)
    %dma_wait3A = arith.constant 0 : i32
    %dma_wait3A_127 = arith.constant 0 : i32
    %dma_wait3A_128 = tpu.memref_slice %arg4[%dma_wait3A, %dma_wait3A_127] : memref<24576x768xf32, #tpu.memory_space<hbm>> -> memref<24576x768xf32, #tpu.memory_space<hbm>>
    tpu.wait_indirect_dma semaphore(%arg9 : memref<!tpu.dma_semaphore, #tpu.memory_space<semaphore_mem>>) src(%arg7 : memref<64x768xf32, #tpu.memory_space<vmem>>) dst(%dma_wait3A_128 : memref<24576x768xf32, #tpu.memory_space<hbm>>)
    %mul3A_129 = arith.constant 4 : i32
    %mul3A_130 = arith.muli %add3A, %mul3A_129 : i32
    %add3A_131 = arith.constant 2 : i32
    %add3A_132 = arith.addi %mul3A_130, %add3A_131 : i32
    %mul3A_133 = arith.constant 64 : i32
    %mul3A_134 = arith.muli %add3A_132, %mul3A_133 : i32
    %jit3A_135 = arith.constant 512 : i32
    %div3A_136 = arith.divsi %mul3A_134, %jit3A_135 : i32
    %sign3A_137 = arith.constant 0 : i32
    %sign3A_138 = arith.cmpi sgt, %mul3A_134, %sign3A_137 : i32
    %sign3A_139 = arith.extui %sign3A_138 : i1 to i32
    %sign3A_140 = arith.constant 0 : i32
    %sign3A_141 = arith.cmpi slt, %mul3A_134, %sign3A_140 : i32
    %sign3A_142 = arith.extui %sign3A_141 : i1 to i32
    %sign3A_143 = arith.subi %sign3A_139, %sign3A_142 : i32
    %sign3A_144 = arith.constant 0 : i32
    %sign3A_145 = arith.cmpi sgt, %jit3A_135, %sign3A_144 : i32
    %sign3A_146 = arith.extui %sign3A_145 : i1 to i32
    %sign3A_147 = arith.constant 0 : i32
    %sign3A_148 = arith.cmpi slt, %jit3A_135, %sign3A_147 : i32
    %sign3A_149 = arith.extui %sign3A_148 : i1 to i32
    %sign3A_150 = arith.subi %sign3A_146, %sign3A_149 : i32
    %ne3A_151 = arith.cmpi ne, %sign3A_143, %sign3A_150 : i32
    %rem3A_152 = arith.remsi %mul3A_134, %jit3A_135 : i32
    %ne3A_153 = arith.constant 0 : i32
    %ne3A_154 = arith.cmpi ne, %rem3A_152, %ne3A_153 : i32
    %and3A_155 = arith.andi %ne3A_151, %ne3A_154 : i1
    %sub3A_156 = arith.constant 1 : i32
    %sub3A_157 = arith.subi %div3A_136, %sub3A_156 : i32
    %select_n3A_158 = arith.select %and3A_155, %sub3A_157, %div3A_136 : i32
    %mul3A_159 = arith.constant 256 : i32
    %mul3A_160 = arith.muli %select_n3A_158, %mul3A_159 : i32
    %jit3A_161 = arith.constant 512 : i32
    %eq3A_162 = arith.constant 0 : i32
    %eq3A_163 = arith.cmpi eq, %jit3A_161, %eq3A_162 : i32
    %jit3A_164 = arith.constant 1 : i32
    %select_n3A_165 = arith.select %eq3A_163, %jit3A_164, %jit3A_161 : i32
    %rem3A_166 = arith.remsi %mul3A_134, %select_n3A_165 : i32
    %ne3A_167 = arith.constant 0 : i32
    %ne3A_168 = arith.cmpi ne, %rem3A_166, %ne3A_167 : i32
    %lt3A_169 = arith.constant 0 : i32
    %lt3A_170 = arith.cmpi slt, %rem3A_166, %lt3A_169 : i32
    %lt3A_171 = arith.constant 0 : i32
    %lt3A_172 = arith.cmpi slt, %select_n3A_165, %lt3A_171 : i32
    %ne3A_173 = arith.xori %lt3A_170, %lt3A_172 : i1
    %and3A_174 = arith.andi %ne3A_173, %ne3A_168 : i1
    %add3A_175 = arith.addi %rem3A_166, %select_n3A_165 : i32
    %select_n3A_176 = arith.select %and3A_174, %add3A_175, %rem3A_166 : i32
    %jit3A_177 = arith.constant 256 : i32
    %eq3A_178 = arith.constant 0 : i32
    %eq3A_179 = arith.cmpi eq, %jit3A_177, %eq3A_178 : i32
    %jit3A_180 = arith.constant 1 : i32
    %select_n3A_181 = arith.select %eq3A_179, %jit3A_180, %jit3A_177 : i32
    %rem3A_182 = arith.remsi %select_n3A_176, %select_n3A_181 : i32
    %ne3A_183 = arith.constant 0 : i32
    %ne3A_184 = arith.cmpi ne, %rem3A_182, %ne3A_183 : i32
    %lt3A_185 = arith.constant 0 : i32
    %lt3A_186 = arith.cmpi slt, %rem3A_182, %lt3A_185 : i32
    %lt3A_187 = arith.constant 0 : i32
    %lt3A_188 = arith.cmpi slt, %select_n3A_181, %lt3A_187 : i32
    %ne3A_189 = arith.xori %lt3A_186, %lt3A_188 : i1
    %and3A_190 = arith.andi %ne3A_189, %ne3A_184 : i1
    %add3A_191 = arith.addi %rem3A_182, %select_n3A_181 : i32
    %select_n3A_192 = arith.select %and3A_190, %add3A_191, %rem3A_182 : i32
    %add3A_193 = arith.addi %mul3A_160, %select_n3A_192 : i32
    %multiple_of3A_194 = tpu.assume_multiple %add3A_193, 64 : i32
    "tpu.region"() ({
      %run_scoped3A = tpu.sem_alloc : memref<!tpu.dma_semaphore, #tpu.memory_space<semaphore_mem>>
      %dma_start3A_276 = arith.constant 0 : i32
      %dma_start3A_277 = tpu.memref_slice %arg3[%add3A_132, %dma_start3A_276] : memref<128x64xi32, #tpu.memory_space<hbm>> -> memref<1x64xi32, #tpu.memory_space<hbm>>
      %dma_start3A_278 = tpu.memref_squeeze %dma_start3A_277 : memref<1x64xi32, #tpu.memory_space<hbm>> -> memref<64xi32, #tpu.memory_space<hbm>>
      %dma_start3A_279 = arith.constant 0 : i32
      %dma_start3A_280 = tpu.memref_slice %arg3[%add3A_132, %dma_start3A_279] : memref<128x64xi32, #tpu.memory_space<hbm>> -> memref<1x64xi32, #tpu.memory_space<hbm>>
      %dma_start3A_281 = tpu.memref_squeeze %dma_start3A_280 : memref<1x64xi32, #tpu.memory_space<hbm>> -> memref<64xi32, #tpu.memory_space<hbm>>
      tpu.enqueue_dma source(%dma_start3A_281 : memref<64xi32, #tpu.memory_space<hbm>>) target(%arg5 : memref<64xi32, #tpu.memory_space<vmem>>) target_semaphore(%run_scoped3A : memref<!tpu.dma_semaphore, #tpu.memory_space<semaphore_mem>>)
      %dma_wait3A_282 = arith.constant 0 : i32
      %dma_wait3A_283 = tpu.memref_slice %arg3[%add3A_132, %dma_wait3A_282] : memref<128x64xi32, #tpu.memory_space<hbm>> -> memref<1x64xi32, #tpu.memory_space<hbm>>
      %dma_wait3A_284 = tpu.memref_squeeze %dma_wait3A_283 : memref<1x64xi32, #tpu.memory_space<hbm>> -> memref<64xi32, #tpu.memory_space<hbm>>
      %dma_wait3A_285 = arith.constant 0 : i32
      %dma_wait3A_286 = tpu.memref_slice %arg3[%add3A_132, %dma_wait3A_285] : memref<128x64xi32, #tpu.memory_space<hbm>> -> memref<1x64xi32, #tpu.memory_space<hbm>>
      %dma_wait3A_287 = tpu.memref_squeeze %dma_wait3A_286 : memref<1x64xi32, #tpu.memory_space<hbm>> -> memref<64xi32, #tpu.memory_space<hbm>>
      tpu.wait_dma2 semaphore(%run_scoped3A : memref<!tpu.dma_semaphore, #tpu.memory_space<semaphore_mem>>) src(%dma_wait3A_287 : memref<64xi32, #tpu.memory_space<hbm>>) dst(%arg5 : memref<64xi32, #tpu.memory_space<vmem>>)
      tpu.yield
    }) : () -> ()
    "tpu.region"() ({
      %run_scoped3A = tpu.sem_alloc : memref<!tpu.dma_semaphore, #tpu.memory_space<semaphore_mem>>
      %dma_start3A_276 = arith.constant 0 : i32
      %dma_start3A_277 = tpu.memref_slice %arg2[%multiple_of3A_194, %dma_start3A_276] : memref<4096x768xf32, #tpu.memory_space<hbm>> -> memref<64x768xf32, #tpu.memory_space<hbm>>
      %dma_start3A_278 = arith.constant 0 : i32
      %dma_start3A_279 = tpu.memref_slice %arg2[%multiple_of3A_194, %dma_start3A_278] : memref<4096x768xf32, #tpu.memory_space<hbm>> -> memref<64x768xf32, #tpu.memory_space<hbm>>
      tpu.enqueue_dma source(%dma_start3A_279 : memref<64x768xf32, #tpu.memory_space<hbm>>) target(%arg7 : memref<64x768xf32, #tpu.memory_space<vmem>>) target_semaphore(%run_scoped3A : memref<!tpu.dma_semaphore, #tpu.memory_space<semaphore_mem>>)
      %dma_wait3A_280 = arith.constant 0 : i32
      %dma_wait3A_281 = tpu.memref_slice %arg2[%multiple_of3A_194, %dma_wait3A_280] : memref<4096x768xf32, #tpu.memory_space<hbm>> -> memref<64x768xf32, #tpu.memory_space<hbm>>
      %dma_wait3A_282 = arith.constant 0 : i32
      %dma_wait3A_283 = tpu.memref_slice %arg2[%multiple_of3A_194, %dma_wait3A_282] : memref<4096x768xf32, #tpu.memory_space<hbm>> -> memref<64x768xf32, #tpu.memory_space<hbm>>
      tpu.wait_dma2 semaphore(%run_scoped3A : memref<!tpu.dma_semaphore, #tpu.memory_space<semaphore_mem>>) src(%dma_wait3A_283 : memref<64x768xf32, #tpu.memory_space<hbm>>) dst(%arg7 : memref<64x768xf32, #tpu.memory_space<vmem>>)
      tpu.yield
    }) : () -> ()
    %dma_start3A_195 = arith.constant 0 : i32
    %dma_start3A_196 = arith.constant 0 : i32
    %dma_start3A_197 = tpu.memref_slice %arg4[%dma_start3A_195, %dma_start3A_196] : memref<24576x768xf32, #tpu.memory_space<hbm>> -> memref<24576x768xf32, #tpu.memory_space<hbm>>
    tpu.enqueue_indirect_dma source(%arg7 : memref<64x768xf32, #tpu.memory_space<vmem>>) target(%dma_start3A_197 : memref<24576x768xf32, #tpu.memory_space<hbm>>) offsets(%arg5 : memref<64xi32, #tpu.memory_space<vmem>>) semaphore(%arg9 : memref<!tpu.dma_semaphore, #tpu.memory_space<semaphore_mem>>)
    %dma_wait3A_198 = arith.constant 0 : i32
    %dma_wait3A_199 = arith.constant 0 : i32
    %dma_wait3A_200 = tpu.memref_slice %arg4[%dma_wait3A_198, %dma_wait3A_199] : memref<24576x768xf32, #tpu.memory_space<hbm>> -> memref<24576x768xf32, #tpu.memory_space<hbm>>
    tpu.wait_indirect_dma semaphore(%arg10 : memref<!tpu.dma_semaphore, #tpu.memory_space<semaphore_mem>>) src(%arg8 : memref<64x768xf32, #tpu.memory_space<vmem>>) dst(%dma_wait3A_200 : memref<24576x768xf32, #tpu.memory_space<hbm>>)
    %mul3A_201 = arith.constant 4 : i32
    %mul3A_202 = arith.muli %add3A, %mul3A_201 : i32
    %add3A_203 = arith.constant 3 : i32
    %add3A_204 = arith.addi %mul3A_202, %add3A_203 : i32
    %mul3A_205 = arith.constant 64 : i32
    %mul3A_206 = arith.muli %add3A_204, %mul3A_205 : i32
    %jit3A_207 = arith.constant 512 : i32
    %div3A_208 = arith.divsi %mul3A_206, %jit3A_207 : i32
    %sign3A_209 = arith.constant 0 : i32
    %sign3A_210 = arith.cmpi sgt, %mul3A_206, %sign3A_209 : i32
    %sign3A_211 = arith.extui %sign3A_210 : i1 to i32
    %sign3A_212 = arith.constant 0 : i32
    %sign3A_213 = arith.cmpi slt, %mul3A_206, %sign3A_212 : i32
    %sign3A_214 = arith.extui %sign3A_213 : i1 to i32
    %sign3A_215 = arith.subi %sign3A_211, %sign3A_214 : i32
    %sign3A_216 = arith.constant 0 : i32
    %sign3A_217 = arith.cmpi sgt, %jit3A_207, %sign3A_216 : i32
    %sign3A_218 = arith.extui %sign3A_217 : i1 to i32
    %sign3A_219 = arith.constant 0 : i32
    %sign3A_220 = arith.cmpi slt, %jit3A_207, %sign3A_219 : i32
    %sign3A_221 = arith.extui %sign3A_220 : i1 to i32
    %sign3A_222 = arith.subi %sign3A_218, %sign3A_221 : i32
    %ne3A_223 = arith.cmpi ne, %sign3A_215, %sign3A_222 : i32
    %rem3A_224 = arith.remsi %mul3A_206, %jit3A_207 : i32
    %ne3A_225 = arith.constant 0 : i32
    %ne3A_226 = arith.cmpi ne, %rem3A_224, %ne3A_225 : i32
    %and3A_227 = arith.andi %ne3A_223, %ne3A_226 : i1
    %sub3A_228 = arith.constant 1 : i32
    %sub3A_229 = arith.subi %div3A_208, %sub3A_228 : i32
    %select_n3A_230 = arith.select %and3A_227, %sub3A_229, %div3A_208 : i32
    %mul3A_231 = arith.constant 256 : i32
    %mul3A_232 = arith.muli %select_n3A_230, %mul3A_231 : i32
    %jit3A_233 = arith.constant 512 : i32
    %eq3A_234 = arith.constant 0 : i32
    %eq3A_235 = arith.cmpi eq, %jit3A_233, %eq3A_234 : i32
    %jit3A_236 = arith.constant 1 : i32
    %select_n3A_237 = arith.select %eq3A_235, %jit3A_236, %jit3A_233 : i32
    %rem3A_238 = arith.remsi %mul3A_206, %select_n3A_237 : i32
    %ne3A_239 = arith.constant 0 : i32
    %ne3A_240 = arith.cmpi ne, %rem3A_238, %ne3A_239 : i32
    %lt3A_241 = arith.constant 0 : i32
    %lt3A_242 = arith.cmpi slt, %rem3A_238, %lt3A_241 : i32
    %lt3A_243 = arith.constant 0 : i32
    %lt3A_244 = arith.cmpi slt, %select_n3A_237, %lt3A_243 : i32
    %ne3A_245 = arith.xori %lt3A_242, %lt3A_244 : i1
    %and3A_246 = arith.andi %ne3A_245, %ne3A_240 : i1
    %add3A_247 = arith.addi %rem3A_238, %select_n3A_237 : i32
    %select_n3A_248 = arith.select %and3A_246, %add3A_247, %rem3A_238 : i32
    %jit3A_249 = arith.constant 256 : i32
    %eq3A_250 = arith.constant 0 : i32
    %eq3A_251 = arith.cmpi eq, %jit3A_249, %eq3A_250 : i32
    %jit3A_252 = arith.constant 1 : i32
    %select_n3A_253 = arith.select %eq3A_251, %jit3A_252, %jit3A_249 : i32
    %rem3A_254 = arith.remsi %select_n3A_248, %select_n3A_253 : i32
    %ne3A_255 = arith.constant 0 : i32
    %ne3A_256 = arith.cmpi ne, %rem3A_254, %ne3A_255 : i32
    %lt3A_257 = arith.constant 0 : i32
    %lt3A_258 = arith.cmpi slt, %rem3A_254, %lt3A_257 : i32
    %lt3A_259 = arith.constant 0 : i32
    %lt3A_260 = arith.cmpi slt, %select_n3A_253, %lt3A_259 : i32
    %ne3A_261 = arith.xori %lt3A_258, %lt3A_260 : i1
    %and3A_262 = arith.andi %ne3A_261, %ne3A_256 : i1
    %add3A_263 = arith.addi %rem3A_254, %select_n3A_253 : i32
    %select_n3A_264 = arith.select %and3A_262, %add3A_263, %rem3A_254 : i32
    %add3A_265 = arith.addi %mul3A_232, %select_n3A_264 : i32
    %multiple_of3A_266 = tpu.assume_multiple %add3A_265, 64 : i32
    "tpu.region"() ({
      %run_scoped3A = tpu.sem_alloc : memref<!tpu.dma_semaphore, #tpu.memory_space<semaphore_mem>>
      %dma_start3A_276 = arith.constant 0 : i32
      %dma_start3A_277 = tpu.memref_slice %arg3[%add3A_204, %dma_start3A_276] : memref<128x64xi32, #tpu.memory_space<hbm>> -> memref<1x64xi32, #tpu.memory_space<hbm>>
      %dma_start3A_278 = tpu.memref_squeeze %dma_start3A_277 : memref<1x64xi32, #tpu.memory_space<hbm>> -> memref<64xi32, #tpu.memory_space<hbm>>
      %dma_start3A_279 = arith.constant 0 : i32
      %dma_start3A_280 = tpu.memref_slice %arg3[%add3A_204, %dma_start3A_279] : memref<128x64xi32, #tpu.memory_space<hbm>> -> memref<1x64xi32, #tpu.memory_space<hbm>>
      %dma_start3A_281 = tpu.memref_squeeze %dma_start3A_280 : memref<1x64xi32, #tpu.memory_space<hbm>> -> memref<64xi32, #tpu.memory_space<hbm>>
      tpu.enqueue_dma source(%dma_start3A_281 : memref<64xi32, #tpu.memory_space<hbm>>) target(%arg6 : memref<64xi32, #tpu.memory_space<vmem>>) target_semaphore(%run_scoped3A : memref<!tpu.dma_semaphore, #tpu.memory_space<semaphore_mem>>)
      %dma_wait3A_282 = arith.constant 0 : i32
      %dma_wait3A_283 = tpu.memref_slice %arg3[%add3A_204, %dma_wait3A_282] : memref<128x64xi32, #tpu.memory_space<hbm>> -> memref<1x64xi32, #tpu.memory_space<hbm>>
      %dma_wait3A_284 = tpu.memref_squeeze %dma_wait3A_283 : memref<1x64xi32, #tpu.memory_space<hbm>> -> memref<64xi32, #tpu.memory_space<hbm>>
      %dma_wait3A_285 = arith.constant 0 : i32
      %dma_wait3A_286 = tpu.memref_slice %arg3[%add3A_204, %dma_wait3A_285] : memref<128x64xi32, #tpu.memory_space<hbm>> -> memref<1x64xi32, #tpu.memory_space<hbm>>
      %dma_wait3A_287 = tpu.memref_squeeze %dma_wait3A_286 : memref<1x64xi32, #tpu.memory_space<hbm>> -> memref<64xi32, #tpu.memory_space<hbm>>
      tpu.wait_dma2 semaphore(%run_scoped3A : memref<!tpu.dma_semaphore, #tpu.memory_space<semaphore_mem>>) src(%dma_wait3A_287 : memref<64xi32, #tpu.memory_space<hbm>>) dst(%arg6 : memref<64xi32, #tpu.memory_space<vmem>>)
      tpu.yield
    }) : () -> ()
    "tpu.region"() ({
      %run_scoped3A = tpu.sem_alloc : memref<!tpu.dma_semaphore, #tpu.memory_space<semaphore_mem>>
      %dma_start3A_276 = arith.constant 0 : i32
      %dma_start3A_277 = tpu.memref_slice %arg2[%multiple_of3A_266, %dma_start3A_276] : memref<4096x768xf32, #tpu.memory_space<hbm>> -> memref<64x768xf32, #tpu.memory_space<hbm>>
      %dma_start3A_278 = arith.constant 0 : i32
      %dma_start3A_279 = tpu.memref_slice %arg2[%multiple_of3A_266, %dma_start3A_278] : memref<4096x768xf32, #tpu.memory_space<hbm>> -> memref<64x768xf32, #tpu.memory_space<hbm>>
      tpu.enqueue_dma source(%dma_start3A_279 : memref<64x768xf32, #tpu.memory_space<hbm>>) target(%arg8 : memref<64x768xf32, #tpu.memory_space<vmem>>) target_semaphore(%run_scoped3A : memref<!tpu.dma_semaphore, #tpu.memory_space<semaphore_mem>>)
      %dma_wait3A_280 = arith.constant 0 : i32
      %dma_wait3A_281 = tpu.memref_slice %arg2[%multiple_of3A_266, %dma_wait3A_280] : memref<4096x768xf32, #tpu.memory_space<hbm>> -> memref<64x768xf32, #tpu.memory_space<hbm>>
      %dma_wait3A_282 = arith.constant 0 : i32
      %dma_wait3A_283 = tpu.memref_slice %arg2[%multiple_of3A_266, %dma_wait3A_282] : memref<4096x768xf32, #tpu.memory_space<hbm>> -> memref<64x768xf32, #tpu.memory_space<hbm>>
      tpu.wait_dma2 semaphore(%run_scoped3A : memref<!tpu.dma_semaphore, #tpu.memory_space<semaphore_mem>>) src(%dma_wait3A_283 : memref<64x768xf32, #tpu.memory_space<hbm>>) dst(%arg8 : memref<64x768xf32, #tpu.memory_space<vmem>>)
      tpu.yield
    }) : () -> ()
    %dma_start3A_267 = arith.constant 0 : i32
    %dma_start3A_268 = arith.constant 0 : i32
    %dma_start3A_269 = tpu.memref_slice %arg4[%dma_start3A_267, %dma_start3A_268] : memref<24576x768xf32, #tpu.memory_space<hbm>> -> memref<24576x768xf32, #tpu.memory_space<hbm>>
    tpu.enqueue_indirect_dma source(%arg8 : memref<64x768xf32, #tpu.memory_space<vmem>>) target(%dma_start3A_269 : memref<24576x768xf32, #tpu.memory_space<hbm>>) offsets(%arg6 : memref<64xi32, #tpu.memory_space<vmem>>) semaphore(%arg10 : memref<!tpu.dma_semaphore, #tpu.memory_space<semaphore_mem>>)
    %dma_wait3A_270 = arith.constant 0 : i32
    %dma_wait3A_271 = arith.constant 0 : i32
    %dma_wait3A_272 = tpu.memref_slice %arg4[%dma_wait3A_270, %dma_wait3A_271] : memref<24576x768xf32, #tpu.memory_space<hbm>> -> memref<24576x768xf32, #tpu.memory_space<hbm>>
    tpu.wait_indirect_dma semaphore(%arg9 : memref<!tpu.dma_semaphore, #tpu.memory_space<semaphore_mem>>) src(%arg7 : memref<64x768xf32, #tpu.memory_space<vmem>>) dst(%dma_wait3A_272 : memref<24576x768xf32, #tpu.memory_space<hbm>>)
    %dma_wait3A_273 = arith.constant 0 : i32
    %dma_wait3A_274 = arith.constant 0 : i32
    %dma_wait3A_275 = tpu.memref_slice %arg4[%dma_wait3A_273, %dma_wait3A_274] : memref<24576x768xf32, #tpu.memory_space<hbm>> -> memref<24576x768xf32, #tpu.memory_space<hbm>>
    tpu.wait_indirect_dma semaphore(%arg10 : memref<!tpu.dma_semaphore, #tpu.memory_space<semaphore_mem>>) src(%arg8 : memref<64x768xf32, #tpu.memory_space<vmem>>) dst(%dma_wait3A_275 : memref<24576x768xf32, #tpu.memory_space<hbm>>)
    return
  }
}

module attributes {stable_mosaic.version = 14 : i64} {
  func.func @_meta_body(%arg0: i32, %arg1: memref<256x2xi32, #tpu.memory_space<vmem>>, %arg2: memref<8x64xf32, #tpu.memory_space<vmem>>, %arg3: memref<512x1xi32, #tpu.memory_space<vmem>>, %arg4: memref<104x1xi32, #tpu.memory_space<vmem>>, %arg5: memref<1x64xf32, #tpu.memory_space<vmem>>, %arg6: memref<1x64xf32, #tpu.memory_space<vmem>>) attributes {dimension_semantics = [#tpu.dimension_semantics<arbitrary>], iteration_bounds = array<i64: 16>, scalar_prefetch = 0 : i64, scratch_operands = 2 : i64, tpu.core_type = #tpu.core_type<tc>, window_params = [{transform_indices = @transform_0, window_bounds = array<i64: 256, 2>}, {pipeline_mode = #tpu.pipeline_mode<synchronous>, transform_indices = @transform_1, window_bounds = array<i64: 8, 64>}, {transform_indices = @transform_2, window_bounds = array<i64: 512, 1>}, {pipeline_mode = #tpu.pipeline_mode<synchronous>, transform_indices = @transform_3, window_bounds = array<i64: 104, 1>}]} {
    %eq3A = arith.constant 0 : i32
    %eq3A_0 = arith.cmpi eq, %arg0, %eq3A : i32
    %convert_element_type3A = arith.extui %eq3A_0 : i1 to i32
    %cond3A = arith.constant 0 : i32
    %cond3A_1 = arith.cmpi ne, %convert_element_type3A, %cond3A : i32
    scf.if %cond3A_1 {
      %get3A_54 = arith.constant 0 : index
      %get3A_55 = arith.constant 0 : index
      %get3A_56 = vector.load %arg2[%get3A_54, %get3A_55] : memref<8x64xf32, #tpu.memory_space<vmem>>, vector<1x64xf32>
      %convert_element_type3A_57 = arith.fptosi %get3A_56 : vector<1x64xf32> to vector<1x64xi32>
      %add3A_58 = arith.constant 255 : i32
      %add3A_59 = vector.broadcast %add3A_58 : i32 to vector<1x64xi32>
      %add3A_60 = arith.addi %convert_element_type3A_57, %add3A_59 : vector<1x64xi32>
      %jit3A = arith.constant 256 : i32
      %div3A = vector.broadcast %jit3A : i32 to vector<1x64xi32>
      %div3A_61 = arith.divsi %add3A_60, %div3A : vector<1x64xi32>
      %sign3A = arith.constant 0 : i32
      %sign3A_62 = vector.broadcast %sign3A : i32 to vector<1x64xi32>
      %sign3A_63 = arith.cmpi sgt, %add3A_60, %sign3A_62 : vector<1x64xi32>
      %sign3A_64 = arith.extui %sign3A_63 : vector<1x64xi1> to vector<1x64xi32>
      %sign3A_65 = arith.constant 0 : i32
      %sign3A_66 = vector.broadcast %sign3A_65 : i32 to vector<1x64xi32>
      %sign3A_67 = arith.cmpi slt, %add3A_60, %sign3A_66 : vector<1x64xi32>
      %sign3A_68 = arith.extui %sign3A_67 : vector<1x64xi1> to vector<1x64xi32>
      %sign3A_69 = arith.subi %sign3A_64, %sign3A_68 : vector<1x64xi32>
      %sign3A_70 = arith.constant 0 : i32
      %sign3A_71 = arith.cmpi sgt, %jit3A, %sign3A_70 : i32
      %sign3A_72 = arith.extui %sign3A_71 : i1 to i32
      %sign3A_73 = arith.constant 0 : i32
      %sign3A_74 = arith.cmpi slt, %jit3A, %sign3A_73 : i32
      %sign3A_75 = arith.extui %sign3A_74 : i1 to i32
      %sign3A_76 = arith.subi %sign3A_72, %sign3A_75 : i32
      %ne3A = vector.broadcast %sign3A_76 : i32 to vector<1x64xi32>
      %ne3A_77 = arith.cmpi ne, %sign3A_69, %ne3A : vector<1x64xi32>
      %rem3A = vector.broadcast %jit3A : i32 to vector<1x64xi32>
      %rem3A_78 = arith.remsi %add3A_60, %rem3A : vector<1x64xi32>
      %ne3A_79 = arith.constant 0 : i32
      %ne3A_80 = vector.broadcast %ne3A_79 : i32 to vector<1x64xi32>
      %ne3A_81 = arith.cmpi ne, %rem3A_78, %ne3A_80 : vector<1x64xi32>
      %and3A = arith.andi %ne3A_77, %ne3A_81 : vector<1x64xi1>
      %sub3A = arith.constant 1 : i32
      %sub3A_82 = vector.broadcast %sub3A : i32 to vector<1x64xi32>
      %sub3A_83 = arith.subi %div3A_61, %sub3A_82 : vector<1x64xi32>
      %select_n3A = arith.select %and3A, %sub3A_83, %div3A_61 : vector<1x64xi1>, vector<1x64xi32>
      %convert_element_type3A_84 = arith.sitofp %select_n3A : vector<1x64xi32> to vector<1x64xf32>
      %iota3A_85 = tpu.iota {dimensions = array<i32: 0>} : vector<64x64xi32>
      %iota3A_86 = tpu.iota {dimensions = array<i32: 1>} : vector<64x64xi32>
      %le3A = arith.cmpi sle, %iota3A_85, %iota3A_86 : vector<64x64xi32>
      %convert_element_type3A_87 = arith.extui %le3A : vector<64x64xi1> to vector<64x64xi32>
      %convert_element_type3A_88 = arith.sitofp %convert_element_type3A_87 : vector<64x64xi32> to vector<64x64xf32>
      %dot_general3A_89 = arith.constant dense<0.000000e+00> : vector<1x64xf32>
      %dot_general3A_90 = tpu.matmul %convert_element_type3A_84, %convert_element_type3A_88, %dot_general3A_89 {dimension_numbers = #tpu.dot_dimension_numbers<[1], [0], [0], [1], [0, 0, 1, 1], [], []>, transpose_lhs_hint = false} : vector<1x64xf32>, vector<64x64xf32>, vector<1x64xf32> -> vector<1x64xf32>
      %sub3A_91 = arith.subf %dot_general3A_90, %convert_element_type3A_84 : vector<1x64xf32>
      %mul3A_92 = arith.constant 2.560000e+02 : f32
      %mul3A_93 = vector.broadcast %mul3A_92 : f32 to vector<1x64xf32>
      %mul3A_94 = arith.mulf %sub3A_91, %mul3A_93 : vector<1x64xf32>
      %swap3A_95 = arith.constant 0 : index
      %swap3A_96 = arith.constant 0 : index
      %swap3A_97 = vector.load %arg6[%swap3A_95, %swap3A_96] : memref<1x64xf32, #tpu.memory_space<vmem>>, vector<1x64xf32>
      tpu.vector_store %arg6[%swap3A_95, %swap3A_96], %mul3A_94 {strides = array<i32>} : memref<1x64xf32, #tpu.memory_space<vmem>>, vector<1x64xf32>,
      %broadcast_in_dim3A_98 = arith.constant 0.000000e+00 : f32
      %broadcast_in_dim3A_99 = vector.broadcast %broadcast_in_dim3A_98 : f32 to vector<1x64xf32>
      %swap3A_100 = arith.constant 0 : index
      %swap3A_101 = arith.constant 0 : index
      %swap3A_102 = vector.load %arg5[%swap3A_100, %swap3A_101] : memref<1x64xf32, #tpu.memory_space<vmem>>, vector<1x64xf32>
      tpu.vector_store %arg5[%swap3A_100, %swap3A_101], %broadcast_in_dim3A_99 {strides = array<i32>} : memref<1x64xf32, #tpu.memory_space<vmem>>, vector<1x64xf32>,
      %iota3A_103 = tpu.iota {dimensions = array<i32: 0>} : vector<104x64xi32>
      %convert_element_type3A_104 = arith.sitofp %iota3A_103 : vector<104x64xi32> to vector<104x64xf32>
      %le3A_105 = vector.broadcast %dot_general3A_90 : vector<1x64xf32> to vector<104x64xf32>
      %le3A_106 = arith.cmpf ole, %le3A_105, %convert_element_type3A_104 : vector<104x64xf32>
      %convert_element_type3A_107 = arith.extui %le3A_106 : vector<104x64xi1> to vector<104x64xi32>
      %convert_element_type3A_108 = arith.sitofp %convert_element_type3A_107 : vector<104x64xi32> to vector<104x64xf32>
      %reduce_sum3A_109 = arith.constant dense<0.000000e+00> : vector<104xf32>
      %reduce_sum3A_110 = vector.multi_reduction <add>, %convert_element_type3A_108, %reduce_sum3A_109 [1] : vector<104x64xf32> to vector<104xf32>
      %broadcast_in_dim3A_111 = vector.shape_cast %reduce_sum3A_110 : vector<104xf32> to vector<104x1xf32>
      %min3A = arith.constant 6.300000e+01 : f32
      %min3A_112 = vector.broadcast %min3A : f32 to vector<104x1xf32>
      %min3A_113 = arith.minimumf %broadcast_in_dim3A_111, %min3A_112 : vector<104x1xf32>
      %reduce_sum3A_114 = vector.shape_cast %convert_element_type3A_84 : vector<1x64xf32> to vector<1x1x64xf32>
      %reduce_sum3A_115 = arith.constant dense<0.000000e+00> : vector<1xf32>
      %reduce_sum3A_116 = vector.multi_reduction <add>, %reduce_sum3A_114, %reduce_sum3A_115 [1, 2] : vector<1x1x64xf32> to vector<1xf32>
      %reduce_sum3A_117 = vector.shape_cast %reduce_sum3A_116 : vector<1xf32> to vector<1x1x1xf32>
      %reduce_sum3A_118 = vector.extract %reduce_sum3A_117[0, 0, 0] : f32 from vector<1x1x1xf32>
      %iota3A_119 = tpu.iota {dimensions = array<i32: 0>} : vector<104x1xi32>
      %eq3A_120 = arith.constant 96 : i32
      %eq3A_121 = vector.broadcast %eq3A_120 : i32 to vector<104x1xi32>
      %eq3A_122 = arith.cmpi eq, %iota3A_119, %eq3A_121 : vector<104x1xi32>
      %broadcast_in_dim3A_123 = vector.broadcast %reduce_sum3A_118 : f32 to vector<104x1xf32>
      %select_n3A_124 = arith.select %eq3A_122, %broadcast_in_dim3A_123, %min3A_113 : vector<104x1xi1>, vector<104x1xf32>
      %convert_element_type3A_125 = arith.fptosi %select_n3A_124 : vector<104x1xf32> to vector<104x1xi32>
      %swap3A_126 = arith.constant 0 : index
      %swap3A_127 = arith.constant 0 : index
      %swap3A_128 = vector.load %arg4[%swap3A_126, %swap3A_127] : memref<104x1xi32, #tpu.memory_space<vmem>>, vector<104x1xi32>
      tpu.vector_store %arg4[%swap3A_126, %swap3A_127], %convert_element_type3A_125 {strides = array<i32>} : memref<104x1xi32, #tpu.memory_space<vmem>>, vector<104x1xi32>,
    } else {
    }
    %get3A = arith.constant 0 : index
    %get3A_2 = arith.constant 0 : index
    %get3A_3 = vector.load %arg1[%get3A, %get3A_2] : memref<256x2xi32, #tpu.memory_space<vmem>>, vector<256x2xi32>
    %slice3A = vector.extract_strided_slice %get3A_3 {offsets = [0, 0], sizes = [256, 1], strides = [1, 1]} : vector<256x2xi32> to vector<256x1xi32>
    %slice3A_4 = vector.extract_strided_slice %get3A_3 {offsets = [0, 1], sizes = [256, 1], strides = [1, 1]} : vector<256x2xi32> to vector<256x1xi32>
    %iota3A = tpu.iota {dimensions = array<i32: 1>} : vector<256x64xi32>
    %eq3A_5 = vector.broadcast %slice3A : vector<256x1xi32> to vector<256x64xi32>
    %eq3A_6 = arith.cmpi eq, %iota3A, %eq3A_5 : vector<256x64xi32>
    %convert_element_type3A_7 = arith.extui %eq3A_6 : vector<256x64xi1> to vector<256x64xi32>
    %convert_element_type3A_8 = arith.sitofp %convert_element_type3A_7 : vector<256x64xi32> to vector<256x64xf32>
    %eq3A_9 = vector.broadcast %slice3A_4 : vector<256x1xi32> to vector<256x64xi32>
    %eq3A_10 = arith.cmpi eq, %iota3A, %eq3A_9 : vector<256x64xi32>
    %convert_element_type3A_11 = arith.extui %eq3A_10 : vector<256x64xi1> to vector<256x64xi32>
    %convert_element_type3A_12 = arith.sitofp %convert_element_type3A_11 : vector<256x64xi32> to vector<256x64xf32>
    %iota3A_13 = tpu.iota {dimensions = array<i32: 0>} : vector<256x256xi32>
    %iota3A_14 = tpu.iota {dimensions = array<i32: 1>} : vector<256x256xi32>
    %lt3A = arith.cmpi slt, %iota3A_14, %iota3A_13 : vector<256x256xi32>
    %convert_element_type3A_15 = arith.extui %lt3A : vector<256x256xi1> to vector<256x256xi32>
    %convert_element_type3A_16 = arith.sitofp %convert_element_type3A_15 : vector<256x256xi32> to vector<256x256xf32>
    %get3A_17 = arith.constant 0 : index
    %get3A_18 = arith.constant 0 : index
    %get3A_19 = vector.load %arg5[%get3A_17, %get3A_18] : memref<1x64xf32, #tpu.memory_space<vmem>>, vector<1x64xf32>
    %get3A_20 = arith.constant 0 : index
    %get3A_21 = arith.constant 0 : index
    %get3A_22 = vector.load %arg6[%get3A_20, %get3A_21] : memref<1x64xf32, #tpu.memory_space<vmem>>, vector<1x64xf32>
    %add3A = arith.addf %get3A_19, %get3A_22 : vector<1x64xf32>
    %dot_general3A = arith.constant dense<0.000000e+00> : vector<256x64xf32>
    %dot_general3A_23 = tpu.matmul %convert_element_type3A_16, %convert_element_type3A_8, %dot_general3A {dimension_numbers = #tpu.dot_dimension_numbers<[1], [0], [0], [1], [0, 0, 1, 1], [], []>, transpose_lhs_hint = false} : vector<256x256xf32>, vector<256x64xf32>, vector<256x64xf32> -> vector<256x64xf32>
    %add3A_24 = vector.broadcast %add3A : vector<1x64xf32> to vector<256x64xf32>
    %add3A_25 = arith.addf %dot_general3A_23, %add3A_24 : vector<256x64xf32>
    %mul3A = arith.mulf %add3A_25, %convert_element_type3A_8 : vector<256x64xf32>
    %reduce_sum3A = arith.constant dense<0.000000e+00> : vector<256xf32>
    %reduce_sum3A_26 = vector.multi_reduction <add>, %mul3A, %reduce_sum3A [1] : vector<256x64xf32> to vector<256xf32>
    %broadcast_in_dim3A = vector.shape_cast %reduce_sum3A_26 : vector<256xf32> to vector<256x1xf32>
    %reduce_sum3A_27 = arith.constant dense<0.000000e+00> : vector<64xf32>
    %reduce_sum3A_28 = vector.multi_reduction <add>, %convert_element_type3A_8, %reduce_sum3A_27 [0] : vector<256x64xf32> to vector<64xf32>
    %broadcast_in_dim3A_29 = vector.shape_cast %reduce_sum3A_28 : vector<64xf32> to vector<1x64xf32>
    %dot_general3A_30 = arith.constant dense<0.000000e+00> : vector<256x64xf32>
    %dot_general3A_31 = tpu.matmul %convert_element_type3A_16, %convert_element_type3A_12, %dot_general3A_30 {dimension_numbers = #tpu.dot_dimension_numbers<[1], [0], [0], [1], [0, 0, 1, 1], [], []>, transpose_lhs_hint = false} : vector<256x256xf32>, vector<256x64xf32>, vector<256x64xf32> -> vector<256x64xf32>
    %add3A_32 = vector.broadcast %add3A : vector<1x64xf32> to vector<256x64xf32>
    %add3A_33 = arith.addf %dot_general3A_31, %add3A_32 : vector<256x64xf32>
    %add3A_34 = vector.broadcast %broadcast_in_dim3A_29 : vector<1x64xf32> to vector<256x64xf32>
    %add3A_35 = arith.addf %add3A_33, %add3A_34 : vector<256x64xf32>
    %mul3A_36 = arith.mulf %add3A_35, %convert_element_type3A_12 : vector<256x64xf32>
    %reduce_sum3A_37 = arith.constant dense<0.000000e+00> : vector<256xf32>
    %reduce_sum3A_38 = vector.multi_reduction <add>, %mul3A_36, %reduce_sum3A_37 [1] : vector<256x64xf32> to vector<256xf32>
    %broadcast_in_dim3A_39 = vector.shape_cast %reduce_sum3A_38 : vector<256xf32> to vector<256x1xf32>
    %concatenate3A = tpu.concatenate %broadcast_in_dim3A, %broadcast_in_dim3A_39 in 0 : vector<256x1xf32>, vector<256x1xf32> -> vector<512x1xf32>
    %convert_element_type3A_40 = arith.fptosi %concatenate3A : vector<512x1xf32> to vector<512x1xi32>
    %swap3A = arith.constant 0 : index
    %swap3A_41 = arith.constant 0 : index
    %swap3A_42 = vector.load %arg3[%swap3A, %swap3A_41] : memref<512x1xi32, #tpu.memory_space<vmem>>, vector<512x1xi32>
    tpu.vector_store %arg3[%swap3A, %swap3A_41], %convert_element_type3A_40 {strides = array<i32>} : memref<512x1xi32, #tpu.memory_space<vmem>>, vector<512x1xi32>,
    %get3A_43 = arith.constant 0 : index
    %get3A_44 = arith.constant 0 : index
    %get3A_45 = vector.load %arg5[%get3A_43, %get3A_44] : memref<1x64xf32, #tpu.memory_space<vmem>>, vector<1x64xf32>
    %add3A_46 = arith.addf %get3A_45, %broadcast_in_dim3A_29 : vector<1x64xf32>
    %reduce_sum3A_47 = arith.constant dense<0.000000e+00> : vector<64xf32>
    %reduce_sum3A_48 = vector.multi_reduction <add>, %convert_element_type3A_12, %reduce_sum3A_47 [0] : vector<256x64xf32> to vector<64xf32>
    %broadcast_in_dim3A_49 = vector.shape_cast %reduce_sum3A_48 : vector<64xf32> to vector<1x64xf32>
    %add3A_50 = arith.addf %add3A_46, %broadcast_in_dim3A_49 : vector<1x64xf32>
    %swap3A_51 = arith.constant 0 : index
    %swap3A_52 = arith.constant 0 : index
    %swap3A_53 = vector.load %arg5[%swap3A_51, %swap3A_52] : memref<1x64xf32, #tpu.memory_space<vmem>>, vector<1x64xf32>
    tpu.vector_store %arg5[%swap3A_51, %swap3A_52], %add3A_50 {strides = array<i32>} : memref<1x64xf32, #tpu.memory_space<vmem>>, vector<1x64xf32>,
    return
  }
  func.func @transform_0(%arg0: i32) -> (i32, i32) {
    %c0_i32 = arith.constant 0 : i32
    %c0_i32_0 = arith.constant 0 : i32
    return %arg0, %c0_i32 : i32, i32
  }
  func.func @transform_1(%arg0: i32) -> (i32, i32) {
    %c0_i32 = arith.constant 0 : i32
    %c0_i32_0 = arith.constant 0 : i32
    %c0_i32_1 = arith.constant 0 : i32
    return %c0_i32, %c0_i32_0 : i32, i32
  }
  func.func @transform_2(%arg0: i32) -> (i32, i32) {
    %c0_i32 = arith.constant 0 : i32
    %c0_i32_0 = arith.constant 0 : i32
    return %arg0, %c0_i32 : i32, i32
  }
  func.func @transform_3(%arg0: i32) -> (i32, i32) {
    %c0_i32 = arith.constant 0 : i32
    %c0_i32_0 = arith.constant 0 : i32
    %c0_i32_1 = arith.constant 0 : i32
    return %c0_i32, %c0_i32_0 : i32, i32
  }
}

module attributes {stable_mosaic.version = 14 : i64} {
  func.func @_router_body(%arg0: i32, %arg1: memref<512x768xf32, #tpu.memory_space<vmem>>, %arg2: memref<64x768xf32, #tpu.memory_space<vmem>>, %arg3: memref<512x64xf32, #tpu.memory_space<vmem>>, %arg4: memref<512x2xf32, #tpu.memory_space<vmem>>, %arg5: memref<512x2xi32, #tpu.memory_space<vmem>>, %arg6: memref<8x64xf32, #tpu.memory_space<vmem>>, %arg7: memref<1x64xf32, #tpu.memory_space<vmem>>) attributes {dimension_semantics = [#tpu.dimension_semantics<arbitrary>], iteration_bounds = array<i64: 8>, scalar_prefetch = 0 : i64, scratch_operands = 1 : i64, tpu.core_type = #tpu.core_type<tc>, window_params = [{transform_indices = @transform_0, window_bounds = array<i64: 512, 768>}, {pipeline_mode = #tpu.pipeline_mode<synchronous>, transform_indices = @transform_1, window_bounds = array<i64: 64, 768>}, {transform_indices = @transform_2, window_bounds = array<i64: 512, 64>}, {transform_indices = @transform_3, window_bounds = array<i64: 512, 2>}, {transform_indices = @transform_4, window_bounds = array<i64: 512, 2>}, {pipeline_mode = #tpu.pipeline_mode<synchronous>, transform_indices = @transform_5, window_bounds = array<i64: 8, 64>}]} {
    %eq3A = arith.constant 0 : i32
    %eq3A_0 = arith.cmpi eq, %arg0, %eq3A : i32
    %convert_element_type3A = arith.extui %eq3A_0 : i1 to i32
    %cond3A = arith.constant 0 : i32
    %cond3A_1 = arith.cmpi ne, %convert_element_type3A, %cond3A : i32
    scf.if %cond3A_1 {
      %broadcast_in_dim3A_72 = arith.constant 0.000000e+00 : f32
      %broadcast_in_dim3A_73 = vector.broadcast %broadcast_in_dim3A_72 : f32 to vector<1x64xf32>
      %swap3A_74 = arith.constant 0 : index
      %swap3A_75 = arith.constant 0 : index
      %swap3A_76 = vector.load %arg7[%swap3A_74, %swap3A_75] : memref<1x64xf32, #tpu.memory_space<vmem>>, vector<1x64xf32>
      tpu.vector_store %arg7[%swap3A_74, %swap3A_75], %broadcast_in_dim3A_73 {strides = array<i32>} : memref<1x64xf32, #tpu.memory_space<vmem>>, vector<1x64xf32>,
    } else {
    }
    %get3A = arith.constant 0 : index
    %get3A_2 = arith.constant 0 : index
    %get3A_3 = vector.load %arg1[%get3A, %get3A_2] : memref<512x768xf32, #tpu.memory_space<vmem>>, vector<512x768xf32>
    %get3A_4 = arith.constant 0 : index
    %get3A_5 = arith.constant 0 : index
    %get3A_6 = vector.load %arg2[%get3A_4, %get3A_5] : memref<64x768xf32, #tpu.memory_space<vmem>>, vector<64x768xf32>
    %dot_general3A = arith.constant dense<0.000000e+00> : vector<512x64xf32>
    %dot_general3A_7 = tpu.matmul %get3A_3, %get3A_6, %dot_general3A {dimension_numbers = #tpu.dot_dimension_numbers<[1], [1], [0], [0], [0, 0, 1, 0], [], []>, transpose_lhs_hint = false} : vector<512x768xf32>, vector<64x768xf32>, vector<512x64xf32> -> vector<512x64xf32>
    %swap3A = arith.constant 0 : index
    %swap3A_8 = arith.constant 0 : index
    %swap3A_9 = vector.load %arg3[%swap3A, %swap3A_8] : memref<512x64xf32, #tpu.memory_space<vmem>>, vector<512x64xf32>
    tpu.vector_store %arg3[%swap3A, %swap3A_8], %dot_general3A_7 {strides = array<i32>} : memref<512x64xf32, #tpu.memory_space<vmem>>, vector<512x64xf32>,
    %reduce_max3A = arith.constant dense<0xFF800000> : vector<512xf32>
    %reduce_max3A_10 = vector.multi_reduction <maximumf>, %dot_general3A_7, %reduce_max3A [1] : vector<512x64xf32> to vector<512xf32>
    %broadcast_in_dim3A = vector.shape_cast %reduce_max3A_10 : vector<512xf32> to vector<512x1xf32>
    %sub3A = vector.broadcast %broadcast_in_dim3A : vector<512x1xf32> to vector<512x64xf32>
    %sub3A_11 = arith.subf %dot_general3A_7, %sub3A : vector<512x64xf32>
    %exp3A = math.exp %sub3A_11 : vector<512x64xf32>
    %reduce_sum3A = arith.constant dense<0.000000e+00> : vector<512xf32>
    %reduce_sum3A_12 = vector.multi_reduction <add>, %exp3A, %reduce_sum3A [1] : vector<512x64xf32> to vector<512xf32>
    %broadcast_in_dim3A_13 = vector.shape_cast %reduce_sum3A_12 : vector<512xf32> to vector<512x1xf32>
    %div3A = vector.broadcast %broadcast_in_dim3A_13 : vector<512x1xf32> to vector<512x64xf32>
    %div3A_14 = arith.divf %exp3A, %div3A : vector<512x64xf32>
    %iota3A = tpu.iota {dimensions = array<i32: 1>} : vector<512x64xi32>
    %reduce_max3A_15 = arith.constant dense<0xFF800000> : vector<512xf32>
    %reduce_max3A_16 = vector.multi_reduction <maximumf>, %div3A_14, %reduce_max3A_15 [1] : vector<512x64xf32> to vector<512xf32>
    %broadcast_in_dim3A_17 = vector.shape_cast %reduce_max3A_16 : vector<512xf32> to vector<512x1xf32>
    %eq3A_18 = vector.broadcast %broadcast_in_dim3A_17 : vector<512x1xf32> to vector<512x64xf32>
    %eq3A_19 = arith.cmpf oeq, %div3A_14, %eq3A_18 : vector<512x64xf32>
    %jit3A = arith.constant 64 : i32
    %broadcast_in_dim3A_20 = vector.broadcast %jit3A : i32 to vector<512x64xi32>
    %select_n3A = arith.select %eq3A_19, %iota3A, %broadcast_in_dim3A_20 : vector<512x64xi1>, vector<512x64xi32>
    %reduce_min3A = arith.constant dense<2147483647> : vector<512xi32>
    %reduce_min3A_21 = vector.multi_reduction <minsi>, %select_n3A, %reduce_min3A [1] : vector<512x64xi32> to vector<512xi32>
    %broadcast_in_dim3A_22 = vector.shape_cast %reduce_min3A_21 : vector<512xi32> to vector<512x1xi32>
    %eq3A_23 = vector.broadcast %broadcast_in_dim3A_22 : vector<512x1xi32> to vector<512x64xi32>
    %eq3A_24 = arith.cmpi eq, %iota3A, %eq3A_23 : vector<512x64xi32>
    %jit3A_25 = arith.constant -1.000000e+00 : f32
    %broadcast_in_dim3A_26 = vector.broadcast %jit3A_25 : f32 to vector<512x64xf32>
    %select_n3A_27 = arith.select %eq3A_24, %broadcast_in_dim3A_26, %div3A_14 : vector<512x64xi1>, vector<512x64xf32>
    %reduce_max3A_28 = arith.constant dense<0xFF800000> : vector<512xf32>
    %reduce_max3A_29 = vector.multi_reduction <maximumf>, %select_n3A_27, %reduce_max3A_28 [1] : vector<512x64xf32> to vector<512xf32>
    %broadcast_in_dim3A_30 = vector.shape_cast %reduce_max3A_29 : vector<512xf32> to vector<512x1xf32>
    %eq3A_31 = vector.broadcast %broadcast_in_dim3A_30 : vector<512x1xf32> to vector<512x64xf32>
    %eq3A_32 = arith.cmpf oeq, %select_n3A_27, %eq3A_31 : vector<512x64xf32>
    %jit3A_33 = arith.constant 64 : i32
    %broadcast_in_dim3A_34 = vector.broadcast %jit3A_33 : i32 to vector<512x64xi32>
    %select_n3A_35 = arith.select %eq3A_32, %iota3A, %broadcast_in_dim3A_34 : vector<512x64xi1>, vector<512x64xi32>
    %reduce_min3A_36 = arith.constant dense<2147483647> : vector<512xi32>
    %reduce_min3A_37 = vector.multi_reduction <minsi>, %select_n3A_35, %reduce_min3A_36 [1] : vector<512x64xi32> to vector<512xi32>
    %broadcast_in_dim3A_38 = vector.shape_cast %reduce_min3A_37 : vector<512xi32> to vector<512x1xi32>
    %concatenate3A = tpu.concatenate %broadcast_in_dim3A_17, %broadcast_in_dim3A_30 in 1 : vector<512x1xf32>, vector<512x1xf32> -> vector<512x2xf32>
    %swap3A_39 = arith.constant 0 : index
    %swap3A_40 = arith.constant 0 : index
    %swap3A_41 = vector.load %arg4[%swap3A_39, %swap3A_40] : memref<512x2xf32, #tpu.memory_space<vmem>>, vector<512x2xf32>
    tpu.vector_store %arg4[%swap3A_39, %swap3A_40], %concatenate3A {strides = array<i32>} : memref<512x2xf32, #tpu.memory_space<vmem>>, vector<512x2xf32>,
    %concatenate3A_42 = tpu.concatenate %broadcast_in_dim3A_22, %broadcast_in_dim3A_38 in 1 : vector<512x1xi32>, vector<512x1xi32> -> vector<512x2xi32>
    %swap3A_43 = arith.constant 0 : index
    %swap3A_44 = arith.constant 0 : index
    %swap3A_45 = vector.load %arg5[%swap3A_43, %swap3A_44] : memref<512x2xi32, #tpu.memory_space<vmem>>, vector<512x2xi32>
    tpu.vector_store %arg5[%swap3A_43, %swap3A_44], %concatenate3A_42 {strides = array<i32>} : memref<512x2xi32, #tpu.memory_space<vmem>>, vector<512x2xi32>,
    %eq3A_46 = vector.broadcast %broadcast_in_dim3A_22 : vector<512x1xi32> to vector<512x64xi32>
    %eq3A_47 = arith.cmpi eq, %iota3A, %eq3A_46 : vector<512x64xi32>
    %convert_element_type3A_48 = arith.extui %eq3A_47 : vector<512x64xi1> to vector<512x64xi32>
    %convert_element_type3A_49 = arith.sitofp %convert_element_type3A_48 : vector<512x64xi32> to vector<512x64xf32>
    %eq3A_50 = vector.broadcast %broadcast_in_dim3A_38 : vector<512x1xi32> to vector<512x64xi32>
    %eq3A_51 = arith.cmpi eq, %iota3A, %eq3A_50 : vector<512x64xi32>
    %convert_element_type3A_52 = arith.extui %eq3A_51 : vector<512x64xi1> to vector<512x64xi32>
    %convert_element_type3A_53 = arith.sitofp %convert_element_type3A_52 : vector<512x64xi32> to vector<512x64xf32>
    %add3A = arith.addf %convert_element_type3A_49, %convert_element_type3A_53 : vector<512x64xf32>
    %get3A_54 = arith.constant 0 : index
    %get3A_55 = arith.constant 0 : index
    %get3A_56 = vector.load %arg7[%get3A_54, %get3A_55] : memref<1x64xf32, #tpu.memory_space<vmem>>, vector<1x64xf32>
    %reduce_sum3A_57 = arith.constant dense<0.000000e+00> : vector<64xf32>
    %reduce_sum3A_58 = vector.multi_reduction <add>, %add3A, %reduce_sum3A_57 [0] : vector<512x64xf32> to vector<64xf32>
    %broadcast_in_dim3A_59 = vector.shape_cast %reduce_sum3A_58 : vector<64xf32> to vector<1x64xf32>
    %add3A_60 = arith.addf %get3A_56, %broadcast_in_dim3A_59 : vector<1x64xf32>
    %swap3A_61 = arith.constant 0 : index
    %swap3A_62 = arith.constant 0 : index
    %swap3A_63 = vector.load %arg7[%swap3A_61, %swap3A_62] : memref<1x64xf32, #tpu.memory_space<vmem>>, vector<1x64xf32>
    tpu.vector_store %arg7[%swap3A_61, %swap3A_62], %add3A_60 {strides = array<i32>} : memref<1x64xf32, #tpu.memory_space<vmem>>, vector<1x64xf32>,
    %get3A_64 = arith.constant 0 : index
    %get3A_65 = arith.constant 0 : index
    %get3A_66 = vector.load %arg7[%get3A_64, %get3A_65] : memref<1x64xf32, #tpu.memory_space<vmem>>, vector<1x64xf32>
    %broadcast_in_dim3A_67 = vector.shape_cast %get3A_66 : vector<1x64xf32> to vector<1x64xf32>
    %broadcast_in_dim3A_68 = vector.broadcast %broadcast_in_dim3A_67 : vector<1x64xf32> to vector<8x64xf32>
    %swap3A_69 = arith.constant 0 : index
    %swap3A_70 = arith.constant 0 : index
    %swap3A_71 = vector.load %arg6[%swap3A_69, %swap3A_70] : memref<8x64xf32, #tpu.memory_space<vmem>>, vector<8x64xf32>
    tpu.vector_store %arg6[%swap3A_69, %swap3A_70], %broadcast_in_dim3A_68 {strides = array<i32>} : memref<8x64xf32, #tpu.memory_space<vmem>>, vector<8x64xf32>,
    return
  }
  func.func @transform_0(%arg0: i32) -> (i32, i32) {
    %c0_i32 = arith.constant 0 : i32
    %c0_i32_0 = arith.constant 0 : i32
    return %arg0, %c0_i32 : i32, i32
  }
  func.func @transform_1(%arg0: i32) -> (i32, i32) {
    %c0_i32 = arith.constant 0 : i32
    %c0_i32_0 = arith.constant 0 : i32
    %c0_i32_1 = arith.constant 0 : i32
    return %c0_i32, %c0_i32_0 : i32, i32
  }
  func.func @transform_2(%arg0: i32) -> (i32, i32) {
    %c0_i32 = arith.constant 0 : i32
    %c0_i32_0 = arith.constant 0 : i32
    return %arg0, %c0_i32 : i32, i32
  }
  func.func @transform_3(%arg0: i32) -> (i32, i32) {
    %c0_i32 = arith.constant 0 : i32
    %c0_i32_0 = arith.constant 0 : i32
    return %arg0, %c0_i32 : i32, i32
  }
  func.func @transform_4(%arg0: i32) -> (i32, i32) {
    %c0_i32 = arith.constant 0 : i32
    %c0_i32_0 = arith.constant 0 : i32
    return %arg0, %c0_i32 : i32, i32
  }
  func.func @transform_5(%arg0: i32) -> (i32, i32) {
    %c0_i32 = arith.constant 0 : i32
    %c0_i32_0 = arith.constant 0 : i32
    %c0_i32_1 = arith.constant 0 : i32
    return %c0_i32, %c0_i32_0 : i32, i32
  }
}

module attributes {stable_mosaic.version = 14 : i64} {
  func.func @_gmm_body(%arg0: i32, %arg1: memref<96xi32, #tpu.memory_space<smem>>, %arg2: memref<1xi32, #tpu.memory_space<smem>>, %arg3: memref<256x768xf32, #tpu.memory_space<vmem>>, %arg4: memref<1x768x768xf32, #tpu.memory_space<vmem>>, %arg5: memref<1x768x768xf32, #tpu.memory_space<vmem>>, %arg6: memref<1x768x768xf32, #tpu.memory_space<vmem>>, %arg7: memref<256x768xf32, #tpu.memory_space<vmem>>) attributes {dimension_semantics = [#tpu.dimension_semantics<arbitrary>], iteration_bounds = array<i64: 96>, scalar_prefetch = 2 : i64, scratch_operands = 0 : i64, tpu.core_type = #tpu.core_type<tc>, window_params = [{transform_indices = @transform_0, window_bounds = array<i64: 256, 768>}, {transform_indices = @transform_1, window_bounds = array<i64: 1, 768, 768>}, {transform_indices = @transform_2, window_bounds = array<i64: 1, 768, 768>}, {transform_indices = @transform_3, window_bounds = array<i64: 1, 768, 768>}, {transform_indices = @transform_4, window_bounds = array<i64: 256, 768>}]} {
    %get3A = arith.constant 0 : index
    %get3A_0 = memref.load %arg2[%get3A] : memref<1xi32, #tpu.memory_space<smem>>
    %lt3A = arith.cmpi slt, %arg0, %get3A_0 : i32
    %convert_element_type3A = arith.extui %lt3A : i1 to i32
    %cond3A = arith.constant 0 : i32
    %cond3A_1 = arith.cmpi ne, %convert_element_type3A, %cond3A : i32
    scf.if %cond3A_1 {
      %get3A_2 = arith.constant 0 : index
      %get3A_3 = arith.constant 0 : index
      %get3A_4 = vector.load %arg3[%get3A_2, %get3A_3] : memref<256x768xf32, #tpu.memory_space<vmem>>, vector<256x768xf32>
      %convert_element_type3A_5 = arith.truncf %get3A_4 : vector<256x768xf32> to vector<256x768xbf16>
      %get3A_6 = arith.constant 0 : index
      %get3A_7 = arith.constant 0 : index
      %get3A_8 = arith.constant 0 : index
      %get3A_9 = vector.load %arg4[%get3A_6, %get3A_7, %get3A_8] : memref<1x768x768xf32, #tpu.memory_space<vmem>>, vector<1x768x768xf32>
      %get3A_10 = vector.shape_cast %get3A_9 : vector<1x768x768xf32> to vector<768x768xf32>
      %convert_element_type3A_11 = arith.truncf %get3A_10 : vector<768x768xf32> to vector<768x768xbf16>
      %dot_general3A = arith.constant dense<0.000000e+00> : vector<256x768xf32>
      %dot_general3A_12 = tpu.matmul %convert_element_type3A_5, %convert_element_type3A_11, %dot_general3A {dimension_numbers = #tpu.dot_dimension_numbers<[1], [1], [0], [0], [0, 0, 1, 0], [], []>, transpose_lhs_hint = false} : vector<256x768xbf16>, vector<768x768xbf16>, vector<256x768xf32> -> vector<256x768xf32>
      %get3A_13 = arith.constant 0 : index
      %get3A_14 = arith.constant 0 : index
      %get3A_15 = arith.constant 0 : index
      %get3A_16 = vector.load %arg5[%get3A_13, %get3A_14, %get3A_15] : memref<1x768x768xf32, #tpu.memory_space<vmem>>, vector<1x768x768xf32>
      %get3A_17 = vector.shape_cast %get3A_16 : vector<1x768x768xf32> to vector<768x768xf32>
      %convert_element_type3A_18 = arith.truncf %get3A_17 : vector<768x768xf32> to vector<768x768xbf16>
      %dot_general3A_19 = arith.constant dense<0.000000e+00> : vector<256x768xf32>
      %dot_general3A_20 = tpu.matmul %convert_element_type3A_5, %convert_element_type3A_18, %dot_general3A_19 {dimension_numbers = #tpu.dot_dimension_numbers<[1], [1], [0], [0], [0, 0, 1, 0], [], []>, transpose_lhs_hint = false} : vector<256x768xbf16>, vector<768x768xbf16>, vector<256x768xf32> -> vector<256x768xf32>
      %logistic3A = arith.negf %dot_general3A_12 : vector<256x768xf32>
      %logistic3A_21 = math.exp %logistic3A : vector<256x768xf32>
      %logistic3A_22 = arith.constant 1.000000e+00 : f32
      %logistic3A_23 = vector.broadcast %logistic3A_22 : f32 to vector<256x768xf32>
      %logistic3A_24 = arith.addf %logistic3A_23, %logistic3A_21 : vector<256x768xf32>
      %logistic3A_25 = arith.divf %logistic3A_23, %logistic3A_24 : vector<256x768xf32>
      %mul3A = arith.mulf %dot_general3A_12, %logistic3A_25 : vector<256x768xf32>
      %mul3A_26 = arith.mulf %mul3A, %dot_general3A_20 : vector<256x768xf32>
      %convert_element_type3A_27 = arith.truncf %mul3A_26 : vector<256x768xf32> to vector<256x768xbf16>
      %get3A_28 = arith.constant 0 : index
      %get3A_29 = arith.constant 0 : index
      %get3A_30 = arith.constant 0 : index
      %get3A_31 = vector.load %arg6[%get3A_28, %get3A_29, %get3A_30] : memref<1x768x768xf32, #tpu.memory_space<vmem>>, vector<1x768x768xf32>
      %get3A_32 = vector.shape_cast %get3A_31 : vector<1x768x768xf32> to vector<768x768xf32>
      %convert_element_type3A_33 = arith.truncf %get3A_32 : vector<768x768xf32> to vector<768x768xbf16>
      %dot_general3A_34 = arith.constant dense<0.000000e+00> : vector<256x768xf32>
      %dot_general3A_35 = tpu.matmul %convert_element_type3A_27, %convert_element_type3A_33, %dot_general3A_34 {dimension_numbers = #tpu.dot_dimension_numbers<[1], [1], [0], [0], [0, 0, 1, 0], [], []>, transpose_lhs_hint = false} : vector<256x768xbf16>, vector<768x768xbf16>, vector<256x768xf32> -> vector<256x768xf32>
      %swap3A = arith.constant 0 : index
      %swap3A_36 = arith.constant 0 : index
      %swap3A_37 = vector.load %arg7[%swap3A, %swap3A_36] : memref<256x768xf32, #tpu.memory_space<vmem>>, vector<256x768xf32>
      tpu.vector_store %arg7[%swap3A, %swap3A_36], %dot_general3A_35 {strides = array<i32>} : memref<256x768xf32, #tpu.memory_space<vmem>>, vector<256x768xf32>,
    } else {
    }
    return
  }
  func.func @transform_0(%arg0: i32, %arg1: memref<96xi32, #tpu.memory_space<smem>>, %arg2: memref<1xi32, #tpu.memory_space<smem>>) -> (i32, i32) {
    %get3A = arith.constant 0 : index
    %get3A_0 = memref.load %arg2[%get3A] : memref<1xi32, #tpu.memory_space<smem>>
    %sub3A = arith.constant 1 : i32
    %sub3A_1 = arith.subi %get3A_0, %sub3A : i32
    %min3A = arith.minsi %arg0, %sub3A_1 : i32
    %c0_i32 = arith.constant 0 : i32
    %c0_i32_2 = arith.constant 0 : i32
    return %min3A, %c0_i32 : i32, i32
  }
  func.func @transform_1(%arg0: i32, %arg1: memref<96xi32, #tpu.memory_space<smem>>, %arg2: memref<1xi32, #tpu.memory_space<smem>>) -> (i32, i32, i32) {
    %get3A = arith.constant 0 : index
    %get3A_0 = memref.load %arg2[%get3A] : memref<1xi32, #tpu.memory_space<smem>>
    %sub3A = arith.constant 1 : i32
    %sub3A_1 = arith.subi %get3A_0, %sub3A : i32
    %min3A = arith.minsi %arg0, %sub3A_1 : i32
    %get3A_2 = arith.index_cast %min3A : i32 to index
    %get3A_3 = memref.load %arg1[%get3A_2] : memref<96xi32, #tpu.memory_space<smem>>
    %c0_i32 = arith.constant 0 : i32
    %c0_i32_4 = arith.constant 0 : i32
    %c0_i32_5 = arith.constant 0 : i32
    return %get3A_3, %c0_i32, %c0_i32_4 : i32, i32, i32
  }
  func.func @transform_2(%arg0: i32, %arg1: memref<96xi32, #tpu.memory_space<smem>>, %arg2: memref<1xi32, #tpu.memory_space<smem>>) -> (i32, i32, i32) {
    %get3A = arith.constant 0 : index
    %get3A_0 = memref.load %arg2[%get3A] : memref<1xi32, #tpu.memory_space<smem>>
    %sub3A = arith.constant 1 : i32
    %sub3A_1 = arith.subi %get3A_0, %sub3A : i32
    %min3A = arith.minsi %arg0, %sub3A_1 : i32
    %get3A_2 = arith.index_cast %min3A : i32 to index
    %get3A_3 = memref.load %arg1[%get3A_2] : memref<96xi32, #tpu.memory_space<smem>>
    %c0_i32 = arith.constant 0 : i32
    %c0_i32_4 = arith.constant 0 : i32
    %c0_i32_5 = arith.constant 0 : i32
    return %get3A_3, %c0_i32, %c0_i32_4 : i32, i32, i32
  }
  func.func @transform_3(%arg0: i32, %arg1: memref<96xi32, #tpu.memory_space<smem>>, %arg2: memref<1xi32, #tpu.memory_space<smem>>) -> (i32, i32, i32) {
    %get3A = arith.constant 0 : index
    %get3A_0 = memref.load %arg2[%get3A] : memref<1xi32, #tpu.memory_space<smem>>
    %sub3A = arith.constant 1 : i32
    %sub3A_1 = arith.subi %get3A_0, %sub3A : i32
    %min3A = arith.minsi %arg0, %sub3A_1 : i32
    %get3A_2 = arith.index_cast %min3A : i32 to index
    %get3A_3 = memref.load %arg1[%get3A_2] : memref<96xi32, #tpu.memory_space<smem>>
    %c0_i32 = arith.constant 0 : i32
    %c0_i32_4 = arith.constant 0 : i32
    %c0_i32_5 = arith.constant 0 : i32
    return %get3A_3, %c0_i32, %c0_i32_4 : i32, i32, i32
  }
  func.func @transform_4(%arg0: i32, %arg1: memref<96xi32, #tpu.memory_space<smem>>, %arg2: memref<1xi32, #tpu.memory_space<smem>>) -> (i32, i32) {
    %get3A = arith.constant 0 : index
    %get3A_0 = memref.load %arg2[%get3A] : memref<1xi32, #tpu.memory_space<smem>>
    %sub3A = arith.constant 1 : i32
    %sub3A_1 = arith.subi %get3A_0, %sub3A : i32
    %min3A = arith.minsi %arg0, %sub3A_1 : i32
    %c0_i32 = arith.constant 0 : i32
    %c0_i32_2 = arith.constant 0 : i32
    return %min3A, %c0_i32 : i32, i32
  }
}

module attributes {stable_mosaic.version = 14 : i64} {
  func.func @_shexp_body(%arg0: i32, %arg1: memref<512x768xf32, #tpu.memory_space<vmem>>, %arg2: memref<1536x768xf32, #tpu.memory_space<vmem>>, %arg3: memref<1536x768xf32, #tpu.memory_space<vmem>>, %arg4: memref<768x1536xf32, #tpu.memory_space<vmem>>, %arg5: memref<1x768xf32, #tpu.memory_space<vmem>>, %arg6: memref<512x768xf32, #tpu.memory_space<vmem>>) attributes {dimension_semantics = [#tpu.dimension_semantics<arbitrary>], iteration_bounds = array<i64: 8>, scalar_prefetch = 0 : i64, scratch_operands = 0 : i64, tpu.core_type = #tpu.core_type<tc>, window_params = [{transform_indices = @transform_0, window_bounds = array<i64: 512, 768>}, {pipeline_mode = #tpu.pipeline_mode<synchronous>, transform_indices = @transform_1, window_bounds = array<i64: 1536, 768>}, {pipeline_mode = #tpu.pipeline_mode<synchronous>, transform_indices = @transform_2, window_bounds = array<i64: 1536, 768>}, {pipeline_mode = #tpu.pipeline_mode<synchronous>, transform_indices = @transform_3, window_bounds = array<i64: 768, 1536>}, {pipeline_mode = #tpu.pipeline_mode<synchronous>, transform_indices = @transform_4, window_bounds = array<i64: 1, 768>}, {transform_indices = @transform_5, window_bounds = array<i64: 512, 768>}]} {
    %get3A = arith.constant 0 : index
    %get3A_0 = arith.constant 0 : index
    %get3A_1 = vector.load %arg1[%get3A, %get3A_0] : memref<512x768xf32, #tpu.memory_space<vmem>>, vector<512x768xf32>
    %convert_element_type3A = arith.truncf %get3A_1 : vector<512x768xf32> to vector<512x768xbf16>
    %get3A_2 = arith.constant 0 : index
    %get3A_3 = arith.constant 0 : index
    %get3A_4 = vector.load %arg2[%get3A_2, %get3A_3] : memref<1536x768xf32, #tpu.memory_space<vmem>>, vector<1536x768xf32>
    %convert_element_type3A_5 = arith.truncf %get3A_4 : vector<1536x768xf32> to vector<1536x768xbf16>
    %dot_general3A = arith.constant dense<0.000000e+00> : vector<512x1536xf32>
    %dot_general3A_6 = tpu.matmul %convert_element_type3A, %convert_element_type3A_5, %dot_general3A {dimension_numbers = #tpu.dot_dimension_numbers<[1], [1], [0], [0], [0, 0, 1, 0], [], []>, transpose_lhs_hint = false} : vector<512x768xbf16>, vector<1536x768xbf16>, vector<512x1536xf32> -> vector<512x1536xf32>
    %get3A_7 = arith.constant 0 : index
    %get3A_8 = arith.constant 0 : index
    %get3A_9 = vector.load %arg3[%get3A_7, %get3A_8] : memref<1536x768xf32, #tpu.memory_space<vmem>>, vector<1536x768xf32>
    %convert_element_type3A_10 = arith.truncf %get3A_9 : vector<1536x768xf32> to vector<1536x768xbf16>
    %dot_general3A_11 = arith.constant dense<0.000000e+00> : vector<512x1536xf32>
    %dot_general3A_12 = tpu.matmul %convert_element_type3A, %convert_element_type3A_10, %dot_general3A_11 {dimension_numbers = #tpu.dot_dimension_numbers<[1], [1], [0], [0], [0, 0, 1, 0], [], []>, transpose_lhs_hint = false} : vector<512x768xbf16>, vector<1536x768xbf16>, vector<512x1536xf32> -> vector<512x1536xf32>
    %logistic3A = arith.negf %dot_general3A_6 : vector<512x1536xf32>
    %logistic3A_13 = math.exp %logistic3A : vector<512x1536xf32>
    %logistic3A_14 = arith.constant 1.000000e+00 : f32
    %logistic3A_15 = vector.broadcast %logistic3A_14 : f32 to vector<512x1536xf32>
    %logistic3A_16 = arith.addf %logistic3A_15, %logistic3A_13 : vector<512x1536xf32>
    %logistic3A_17 = arith.divf %logistic3A_15, %logistic3A_16 : vector<512x1536xf32>
    %mul3A = arith.mulf %dot_general3A_6, %logistic3A_17 : vector<512x1536xf32>
    %mul3A_18 = arith.mulf %mul3A, %dot_general3A_12 : vector<512x1536xf32>
    %convert_element_type3A_19 = arith.truncf %mul3A_18 : vector<512x1536xf32> to vector<512x1536xbf16>
    %get3A_20 = arith.constant 0 : index
    %get3A_21 = arith.constant 0 : index
    %get3A_22 = vector.load %arg4[%get3A_20, %get3A_21] : memref<768x1536xf32, #tpu.memory_space<vmem>>, vector<768x1536xf32>
    %convert_element_type3A_23 = arith.truncf %get3A_22 : vector<768x1536xf32> to vector<768x1536xbf16>
    %dot_general3A_24 = arith.constant dense<0.000000e+00> : vector<512x768xf32>
    %dot_general3A_25 = tpu.matmul %convert_element_type3A_19, %convert_element_type3A_23, %dot_general3A_24 {dimension_numbers = #tpu.dot_dimension_numbers<[1], [1], [0], [0], [0, 0, 1, 0], [], []>, transpose_lhs_hint = false} : vector<512x1536xbf16>, vector<768x1536xbf16>, vector<512x768xf32> -> vector<512x768xf32>
    %get3A_26 = arith.constant 0 : index
    %get3A_27 = arith.constant 0 : index
    %get3A_28 = vector.load %arg5[%get3A_26, %get3A_27] : memref<1x768xf32, #tpu.memory_space<vmem>>, vector<1x768xf32>
    %dot_general3A_29 = arith.constant dense<0.000000e+00> : vector<512x1xf32>
    %dot_general3A_30 = tpu.matmul %get3A_1, %get3A_28, %dot_general3A_29 {dimension_numbers = #tpu.dot_dimension_numbers<[1], [1], [0], [0], [0, 0, 1, 0], [], []>, transpose_lhs_hint = false} : vector<512x768xf32>, vector<1x768xf32>, vector<512x1xf32> -> vector<512x1xf32>
    %logistic3A_31 = arith.negf %dot_general3A_30 : vector<512x1xf32>
    %logistic3A_32 = math.exp %logistic3A_31 : vector<512x1xf32>
    %logistic3A_33 = arith.constant 1.000000e+00 : f32
    %logistic3A_34 = vector.broadcast %logistic3A_33 : f32 to vector<512x1xf32>
    %logistic3A_35 = arith.addf %logistic3A_34, %logistic3A_32 : vector<512x1xf32>
    %logistic3A_36 = arith.divf %logistic3A_34, %logistic3A_35 : vector<512x1xf32>
    %mul3A_37 = vector.broadcast %logistic3A_36 : vector<512x1xf32> to vector<512x768xf32>
    %mul3A_38 = arith.mulf %mul3A_37, %dot_general3A_25 : vector<512x768xf32>
    %swap3A = arith.constant 0 : index
    %swap3A_39 = arith.constant 0 : index
    %swap3A_40 = vector.load %arg6[%swap3A, %swap3A_39] : memref<512x768xf32, #tpu.memory_space<vmem>>, vector<512x768xf32>
    tpu.vector_store %arg6[%swap3A, %swap3A_39], %mul3A_38 {strides = array<i32>} : memref<512x768xf32, #tpu.memory_space<vmem>>, vector<512x768xf32>,
    return
  }
  func.func @transform_0(%arg0: i32) -> (i32, i32) {
    %c0_i32 = arith.constant 0 : i32
    %c0_i32_0 = arith.constant 0 : i32
    return %arg0, %c0_i32 : i32, i32
  }
  func.func @transform_1(%arg0: i32) -> (i32, i32) {
    %c0_i32 = arith.constant 0 : i32
    %c0_i32_0 = arith.constant 0 : i32
    %c0_i32_1 = arith.constant 0 : i32
    return %c0_i32, %c0_i32_0 : i32, i32
  }
  func.func @transform_2(%arg0: i32) -> (i32, i32) {
    %c0_i32 = arith.constant 0 : i32
    %c0_i32_0 = arith.constant 0 : i32
    %c0_i32_1 = arith.constant 0 : i32
    return %c0_i32, %c0_i32_0 : i32, i32
  }
  func.func @transform_3(%arg0: i32) -> (i32, i32) {
    %c0_i32 = arith.constant 0 : i32
    %c0_i32_0 = arith.constant 0 : i32
    %c0_i32_1 = arith.constant 0 : i32
    return %c0_i32, %c0_i32_0 : i32, i32
  }
  func.func @transform_4(%arg0: i32) -> (i32, i32) {
    %c0_i32 = arith.constant 0 : i32
    %c0_i32_0 = arith.constant 0 : i32
    %c0_i32_1 = arith.constant 0 : i32
    return %c0_i32, %c0_i32_0 : i32, i32
  }
  func.func @transform_5(%arg0: i32) -> (i32, i32) {
    %c0_i32 = arith.constant 0 : i32
    %c0_i32_0 = arith.constant 0 : i32
    return %arg0, %c0_i32 : i32, i32
  }
}

module attributes {stable_mosaic.version = 14 : i64} {
  func.func @_combine_body(%arg0: i32, %arg1: memref<512x768xf32, #tpu.memory_space<vmem>>, %arg2: memref<512x768xf32, #tpu.memory_space<vmem>>, %arg3: memref<512x2xf32, #tpu.memory_space<vmem>>, %arg4: memref<512x768xf32, #tpu.memory_space<vmem>>, %arg5: memref<512x768xf32, #tpu.memory_space<vmem>>) attributes {dimension_semantics = [#tpu.dimension_semantics<arbitrary>], iteration_bounds = array<i64: 8>, scalar_prefetch = 0 : i64, scratch_operands = 0 : i64, tpu.core_type = #tpu.core_type<tc>, window_params = [{transform_indices = @transform_0, window_bounds = array<i64: 512, 768>}, {transform_indices = @transform_1, window_bounds = array<i64: 512, 768>}, {transform_indices = @transform_2, window_bounds = array<i64: 512, 2>}, {transform_indices = @transform_3, window_bounds = array<i64: 512, 768>}, {transform_indices = @transform_4, window_bounds = array<i64: 512, 768>}]} {
    %get3A = arith.constant 0 : index
    %get3A_0 = arith.constant 0 : index
    %get3A_1 = vector.load %arg3[%get3A, %get3A_0] : memref<512x2xf32, #tpu.memory_space<vmem>>, vector<512x2xf32>
    %slice3A = vector.extract_strided_slice %get3A_1 {offsets = [0, 0], sizes = [512, 1], strides = [1, 1]} : vector<512x2xf32> to vector<512x1xf32>
    %get3A_2 = arith.constant 0 : index
    %get3A_3 = arith.constant 0 : index
    %get3A_4 = vector.load %arg1[%get3A_2, %get3A_3] : memref<512x768xf32, #tpu.memory_space<vmem>>, vector<512x768xf32>
    %mul3A = vector.broadcast %slice3A : vector<512x1xf32> to vector<512x768xf32>
    %mul3A_5 = arith.mulf %mul3A, %get3A_4 : vector<512x768xf32>
    %slice3A_6 = vector.extract_strided_slice %get3A_1 {offsets = [0, 1], sizes = [512, 1], strides = [1, 1]} : vector<512x2xf32> to vector<512x1xf32>
    %get3A_7 = arith.constant 0 : index
    %get3A_8 = arith.constant 0 : index
    %get3A_9 = vector.load %arg2[%get3A_7, %get3A_8] : memref<512x768xf32, #tpu.memory_space<vmem>>, vector<512x768xf32>
    %mul3A_10 = vector.broadcast %slice3A_6 : vector<512x1xf32> to vector<512x768xf32>
    %mul3A_11 = arith.mulf %mul3A_10, %get3A_9 : vector<512x768xf32>
    %add3A = arith.addf %mul3A_5, %mul3A_11 : vector<512x768xf32>
    %get3A_12 = arith.constant 0 : index
    %get3A_13 = arith.constant 0 : index
    %get3A_14 = vector.load %arg4[%get3A_12, %get3A_13] : memref<512x768xf32, #tpu.memory_space<vmem>>, vector<512x768xf32>
    %add3A_15 = arith.addf %add3A, %get3A_14 : vector<512x768xf32>
    %swap3A = arith.constant 0 : index
    %swap3A_16 = arith.constant 0 : index
    %swap3A_17 = vector.load %arg5[%swap3A, %swap3A_16] : memref<512x768xf32, #tpu.memory_space<vmem>>, vector<512x768xf32>
    tpu.vector_store %arg5[%swap3A, %swap3A_16], %add3A_15 {strides = array<i32>} : memref<512x768xf32, #tpu.memory_space<vmem>>, vector<512x768xf32>,
    return
  }
  func.func @transform_0(%arg0: i32) -> (i32, i32) {
    %c0_i32 = arith.constant 0 : i32
    %c0_i32_0 = arith.constant 0 : i32
    return %arg0, %c0_i32 : i32, i32
  }
  func.func @transform_1(%arg0: i32) -> (i32, i32) {
    %c0_i32 = arith.constant 0 : i32
    %c0_i32_0 = arith.constant 0 : i32
    return %arg0, %c0_i32 : i32, i32
  }
  func.func @transform_2(%arg0: i32) -> (i32, i32) {
    %c0_i32 = arith.constant 0 : i32
    %c0_i32_0 = arith.constant 0 : i32
    return %arg0, %c0_i32 : i32, i32
  }
  func.func @transform_3(%arg0: i32) -> (i32, i32) {
    %c0_i32 = arith.constant 0 : i32
    %c0_i32_0 = arith.constant 0 : i32
    return %arg0, %c0_i32 : i32, i32
  }
  func.func @transform_4(%arg0: i32) -> (i32, i32) {
    %c0_i32 = arith.constant 0 : i32
    %c0_i32_0 = arith.constant 0 : i32
    return %arg0, %c0_i32 : i32, i32
  }
}

</mosaic_0001>

<sc_bundles>
// kernel: gather_offload_async_start.1
scs
__scs_entry_jumppad:
0x0: {  	(pc) =	sbr.rel $0x88, $3  }
0x1: {  	(tag) =	ssettag $0x0;
	lr =	simm.s32 $0x1  }
0x2: {  	[smem:$0x3F98] =	sst lr;
	_ =	strace $0xD0000000  }
0x3: {  	_ = 	snop  }
0x4: {  	_ = 	snop  }
0x5: {  	_ = 	snop  }
0x6: {  	_ = 	snop  }
0x7: {  	_ = 	snop  }
__scs_overlays_trampoline_lowered:
0x8: {  	[smem:$0x3FA7] =	sst s0  }
0x9: {  	[smem:$0x3FA8] =	sst s1  }
0xa: {  	[smem:$0x3FA9] =	sst s2  }
0xb: {  	[smem:$0x3FAA] =	sst s3  }
0xc: {  	[smem:$0x3FAB] =	sst s4  }
0xd: {  	[smem:$0x3FAC] =	sst s5  }
0xe: {  	[smem:$0x3FAD] =	sst s6  }
0xf: {  	[smem:$0x3FAE] =	sst s7  }
0x10: {  	[smem:$0x3FAF] =	sst s8  }
0x11: {  	[smem:$0x3FB0] =	sst s9;
	s0 =	simm.s32 @!p0 $0x0  }
0x12: {  	s1 =	sld [smem:$0x3F96];
	s0 =	simm.s32 @p0 $0x1  }
0x13: {  	[smem:$0x3FB1] =	sst s0;
	s0 =	simm.s32 @!p1 $0x0  }
0x14: {  	s2 =	sld [smem:$0x3F95];
	s0 =	simm.s32 @p1 $0x1  }
0x15: {  	[smem:$0x3FB2] =	sst s0;
	s0 =	simm.s32 @!p2 $0x0  }
0x16: {  	s3 =	sld [smem:$0x3FDB];
	s0 =	simm.s32 @p2 $0x1  }
0x17: {  	s4 =	simm.s32 $0x1BF5;
	[smem:$0x3FB4] =	sst s0  }
0x18: {  	s0 =	sld [smem:$0x3F97];
	_ =	swait.ge [sflag:s4], $0x0  }
0x19: {  	s7 =	sld [smem:$0x3F98]  }
0x1a: {  	s8 =	sadd.s32 $0xFFFFE003, lr  }
0x1b: {  	s9 =	sadd.s32 $0xFFFFFEF7, lr;
	s5 =	simm.s32 $0xFFFFFFFF;
	p2 =	slt.u32 s8, $0xFFFFF086  }
0x1c: {  	p1 =	slt.u32 s9, $0xF7A;
	s5 =	simm.s32 @!p2 $0x0  }
0x1d: {  	s5 =	simm.s32 @p1 $0x1;
	p0 =	seq.s32 s7, s2  }
0x1e: {  	s7 =	smul.u32 @!p0 $0xF7A, s2;
	p2 =	seq.s32 @!p0 s5, $0x0  }
0x1f: {  	s9 =	smul.u32 $0xF7A, s1;
	s8 =	simm.s32 @!p0 $0x1BF5;
	p2 =	por !p2, p0  }
0x20: {  	[sflag:s8] =	ssyncset.s32 @!p0 $0xFFFFF086;
	s6 =	sadd.s32 @!p0 s3, s7;
	s7 =	simm.s32 @!p0 $0x108  }
0x21: {  	s3 =	sadd.s32 s3, s9;
	s6 =	sadd.s32 @!p0 $0x88, s6;
	s7 =	simm.s32 @p2 $0x1082  }
0x22: {  	[simem:s7], [sflag:s8] =	dma.local @!p0 [hbm:s6], $0xF7A  }
0x23: {  	s9 =	sor.u32 $0xD0000000, s2;
	s6 =	simm.s32 $0x108;
	_ =	swait.ge @!p0 [sflag:s8], $0x0  }
0x24: {  	s3 =	sadd.s32 $0x88, s3;
	s6 =	simm.s32 @!p1 $0x1082;
	[sflag:s4] =	ssyncset.s32 $0xFFFFF086  }
0x25: {  	[simem:s6], [sflag:s4] =	dma.local [hbm:s3], $0xF7A  }
0x26: {  	[smem:$0x3F98] =	sst s1;
	(tag) =	ssettag s2;
	_ =	strace s9  }
0x27: {  	s1 =	sld [smem:$0x3FA8]  }
0x28: {  	s2 =	sld [smem:$0x3FA9]  }
0x29: {  	s4 =	sld [smem:$0x3FAB]  }
0x2a: {  	p0 =	seq.s32 s5, $0x0;
	s5 =	sld [smem:$0x3FAC]  }
0x2b: {  	s6 =	sld [smem:$0x3FAD]  }
0x2c: {  	s7 =	sld [smem:$0x3FAE]  }
0x2d: {  	s3 =	simm.s32 $0x108;
	s8 =	sld [smem:$0x3FAF]  }
0x2e: {  	s3 =	simm.s32 @!p0 $0x1082;
	s9 =	sld [smem:$0x3FB0]  }
0x2f: {  	lr =	sadd.s32 s0, s3;
	s0 =	sld [smem:$0x3FA7]  }
0x30: {  	s3 =	sld [smem:$0x3FAA]  }
0x31: {  	[smem:$0x3FB3] =	sst s10  }
0x32: {  	s10 =	sld [smem:$0x3FB1];
	_ =	sdelay $0x3  }
0x33: {  	p0 =	seq.s32 s10, $0x1;
	s10 =	sld [smem:$0x3FB3];
	_ =	sdelay $0x3  }
0x34: {  	[smem:$0x3FB3] =	sst s10  }
0x35: {  	s10 =	sld [smem:$0x3FB2];
	_ =	sdelay $0x3  }
0x36: {  	p1 =	seq.s32 s10, $0x1;
	s10 =	sld [smem:$0x3FB3];
	_ =	sdelay $0x3  }
0x37: {  	[smem:$0x3FB3] =	sst s10  }
0x38: {  	s10 =	sld [smem:$0x3FB4]  }
0x39: {  	_ = 	snop;
	(pc) =	sbr.ind lr, $3  }
0x3a: {  	_ = 	snop  }
0x3b: {  	_ = 	snop  }
0x3c: {  	p2 =	seq.s32 s10, $0x1;
	s10 =	sld [smem:$0x3FB3]  }
0x3d: {  	_ =	shalt  }
0x3e: {  	_ =	shalt  }
0x3f: {  	_ =	shalt  }
0x40: {  	_ =	shalt  }
0x41: {  	_ =	shalt  }
0x42: {  	_ =	shalt  }
0x43: {  	_ =	shalt  }
0x44: {  	_ =	shalt  }
0x45: {  	_ =	shalt  }
0x46: {  	_ =	shalt  }
0x47: {  	_ =	shalt  }
0x48: {  	_ =	shalt  }
0x49: {  	_ =	shalt  }
0x4a: {  	_ =	shalt  }
0x4b: {  	_ =	shalt  }
0x4c: {  	_ =	shalt  }
0x4d: {  	_ =	shalt  }
0x4e: {  	_ =	shalt  }
0x4f: {  	_ =	shalt  }
0x50: {  	_ =	shalt  }
0x51: {  	_ =	shalt  }
0x52: {  	_ =	shalt  }
0x53: {  	_ =	shalt  }
0x54: {  	_ =	shalt  }
0x55: {  	_ =	shalt  }
0x56: {  	_ =	shalt  }
0x57: {  	_ =	shalt  }
0x58: {  	_ =	shalt  }
0x59: {  	_ =	shalt  }
0x5a: {  	_ =	shalt  }
0x5b: {  	_ =	shalt  }
0x5c: {  	_ =	shalt  }
0x5d: {  	_ =	shalt  }
0x5e: {  	_ =	shalt  }
0x5f: {  	_ =	shalt  }
0x60: {  	_ =	shalt  }
0x61: {  	_ =	shalt  }
0x62: {  	_ =	shalt  }
0x63: {  	_ =	shalt  }
0x64: {  	_ =	shalt  }
0x65: {  	_ =	shalt  }
0x66: {  	_ =	shalt  }
0x67: {  	_ =	shalt  }
0x68: {  	_ =	shalt  }
0x69: {  	_ =	shalt  }
0x6a: {  	_ =	shalt  }
0x6b: {  	_ =	shalt  }
0x6c: {  	_ =	shalt  }
0x6d: {  	_ =	shalt  }
0x6e: {  	_ =	shalt  }
0x6f: {  	_ =	shalt  }
0x70: {  	_ =	shalt  }
0x71: {  	_ =	shalt  }
0x72: {  	_ =	shalt  }
0x73: {  	_ =	shalt  }
0x74: {  	_ =	shalt  }
0x75: {  	_ =	shalt  }
0x76: {  	_ =	shalt  }
0x77: {  	_ =	shalt  }
0x78: {  	_ =	shalt  }
0x79: {  	_ =	shalt  }
0x7a: {  	_ =	shalt  }
0x7b: {  	_ =	shalt  }
0x7c: {  	_ =	shalt  }
0x7d: {  	_ =	shalt  }
0x7e: {  	_ =	shalt  }
0x7f: {  	_ =	shalt  }
0x80: {  	_ =	shalt  }
0x81: {  	_ =	shalt  }
0x82: {  	_ =	shalt  }
0x83: {  	_ =	shalt  }
0x84: {  	_ =	shalt  }
0x85: {  	_ =	shalt  }
0x86: {  	_ =	shalt  }
0x87: {  	_ =	shalt  }
.Lfunc_end0:
.L_simem_size_0:
called_computation.1_lowered:
.L_overlay_start_0:
0x88: {  	s2 =	sld [smem:$0x3FD9]  }
0x89: {  	s3 =	sld [smem:$0x3FFE];
	_ =	sdelay $0x1  }
0x8a: {  	s1 =	srdreg.scid  }
0x8b: {  	s0 =	sand.u32 $0x1, s1  }
0x8c: {  	s16 =	sshll.u32 s0, $0xA;
	s2 =	sadd.s32 s3, s2  }
0x8d: {  	s2 =	sadd.s32 s2, s16  }
0x8e: {  	[smem:$0x3FBF] =	sst s2  }
0x8f: {  	_ = 	snop  }
0x90: {  	(tm) =	ssettm $0x1  }
0x91: {  	s17 =	sld [smem:$0x3FFB];
	_ =	sdelay $0x3  }
0x92: {  	_ =	strace s17  }
0x93: {  	s2 =	sld [smem:$0x3FFC];
	_ =	sdelay $0x3  }
0x94: {  	_ =	strace s2  }
0x95: {  	s2 =	sld [smem:$0x3FFD];
	_ =	sdelay $0x3  }
0x96: {  	_ =	strace s2  }
0x97: {  	_ =	strace $0x8FFFFFFF  }
0x98: {  	s18 =	sld [smem:$0x3FDB];
	_ =	sdelay $0x1  }
0x99: {  	s19 =	simm.s32 $_scs_section_size  }
0x9a: {  	s4 =	simm.s32 $_size__tile_overlayer_lowered;
	s5 =	simm.s32 $_tile_overlayer_lowered  }
0x9b: {  	s22 =	simm.s32 $0x1BFF;
	s21 =	sshll.u32 s5, $0x1;
	s2 =	sadd.s32 s19, s18  }
0x9c: {  	s6 =	simm.s32 $0x0;
	s20 =	sshll.u32 s4, $0x1;
	s4 =	sadd.s32 s21, s2  }
0x9d: {  	[timem:s6], [sflag:s22] =	dma.local [hbm:s4], s20  }
0x9e: {  	_ =	swait.ge [sflag:s22], s20  }
0x9f: {  	s3 =	ssub.s32 $0x0, s20;
	[sflag:s22] =	ssyncset.done $0x0  }
0xa0: {  	[sflag:s22] =	ssyncadd.s32 s3;
	_ =	sdelay $0x1  }
0xa1: {  	s23 =	simm.s32 $0x1B8B  }
0xa2: {  	_ =	swait.ge [sflag:s23], $0x1  }
0xa3: {  	[sflag:s23] =	ssyncset.done $0x0  }
0xa4: {  	s25 =	simm.s32 $0x1B8E;
	s24 =	sld [smem:$0x3FFE];
	[sflag:s23] =	ssyncadd.s32 $0xFFFFFFFF  }
0xa5: {  	s26 =	simm.s32 $execute0_lowered;
	[smem:$0x3FD2] =	sst s25  }
0xa6: {  	s4 =	sshll.u32 s26, $0x1;
	_ =	strace $0x80000049;
	[dreg:$0x1] =	wrdreg $0xFFFFFFFF  }
0xa7: {  	s28 =	simm.s32 $_size_execute0_lowered;
	s2 =	sadd.s32 s2, s4;
	[dreg:$0x0] =	wrdreg $0x0  }
0xa8: {  	s4 =	sshll.u32 s28, $0x1;
	[dreg:$0x2] =	wrdreg s2  }
0xa9: {  	[dreg:$0x3] =	wrdreg s4  }
0xaa: {  	[dreg:$0x4] =	wrdreg $0xC0  }
0xab: {  	_ =	task [dreg:s6], $0x5FFFF  }
0xac: {  	[dreg:$0x1] =	wrdreg $0xFFFFFFFF  }
0xad: {  	[dreg:$0x0] =	wrdreg $0x60  }
0xae: {  	[dreg:$0x2] =	wrdreg s24  }
0xaf: {  	[dreg:$0x3] =	wrdreg $0xA  }
0xb0: {  	_ =	task.clear_ibuf [dreg:s6], $0x4FFFF;
	_ =	strace $0x90000049  }
0xb1: {  	s29 =	simm.s32 $0xA;
	_ =	strace $0x8000004B  }
0xb2: {  	_ =	swait.ge [sflag:s29], $0x1  }
0xb3: {  	[sflag:s29] =	ssyncadd.s32 $0xFFFFFFFF  }
0xb4: {  	_ =	strace $0x9000004B  }
0xb5: {  	_ =	sfence  }
0xb6: {  	s30 =	sld [smem:$0x0];
	_ =	sdelay $0x2  }
0xb7: {  	s31 =	sshll.u32 s1, $0xD;
	s1 =	sshrl.u32 s1, $0x2  }
0xb8: {  	s3 =	sand.u32 $0x4000, s31;
	s1 =	sadd.s32 s1, s30  }
0xb9: {  	s0 =	sor.u32 s3, s0;
	s1 =	sshll.u32 s1, $0x11  }
0xba: {  	s0 =	sor.u32 s1, s0  }
0xbb: {  	s0 =	sadd.s32 $0x8F2B, s0  }
0xbc: {  	[sflag:s0] =	ssyncadd.remote.s32 $0x1  }
0xbd: {  	_ =	sfence.sel $0xFFFF  }
0xbe: {  	[dreg:$0x0] =	wrdreg $0xFFFFFFFF;
	(pc) =	sbr.abs _section_cstart, $3  }
0xbf: {  	[dreg:$0x1] =	wrdreg $0xFFFFFFFF  }
0xc0: {  	_ =	task.clear_ibuf [dreg:s6], $0x2FFFF;
	_ =	strace $0x9FFFFFFF  }
0xc1: {  	(tm) =	ssettm $0x7FFFFFFF  }
tec
execute0_lowered:
.L_overlay_start_1:
0x0: {  	(tag) =	ssettag $0x1  }
0x1: {  	s7 =	rddreg [dreg:$0x0]  }
0x2: {  	s0 =	rddreg [dreg:$0x1];
	_ =	strace $0x8000004A  }
0x3: {  	s1 =	srdreg.scid;
	s4 =	simm.s32 $0x1;
	s9 =	simm.s32 $0x3  }
0x4: {  	s11 =	simm.s32 $0x0;
	p0 =	por $0x0, $0x0;
	s5 =	sshll.u32 s1, $0x4  }
.Ltmp0:
0x5: {  	s1 =	stileid.u32;
	s5 =	sand.u32 $0x10, s5;
	(pc) =	sbr.rel .LBB2_1-.Ltmp0, $4  }
0x6: {  	s2 =	sadd.s32 $0x262400, s7;
	s3 =	sadd.s32 $0x262200, s7;
	s6 =	sor.u32 s1, s5  }
0x7: {  	[sflag:s4] =	ssyncpa.u1 $0x0;
	s5 =	simm.s32 $0x2;
	s6 =	sshll.u32 s6, $0x7  }
0x8: {  	s7 =	sadd.s32 $0x22000, s7;
	[sflag:s5] =	ssyncpa.u1 $0x0;
	s8 =	sadd.s32 $0x80, s6  }
0x9: {  	vm0 =	vmmov $0xff;
	vm1 =	vcmask $0x3F20;
	[sflag:s9] =	ssyncpa.u1 $0x0;
	s10 =	smov.u32 s6;
	s9 =	simm.s32 $0x0  }
.LBB2_9:
0xa: {  	p1 =	slt.u32 s9, $0x2;
	s11 =	sadd.s32 $0x40, s10  }
0xb: {  	s13 =	smov.u32 s6;
	s9 =	sadd.s32 $0x1, s9;
	p2 =	slt.s32 s11, s8  }
0xc: {  	s13 =	smov.u32 @p2 s11;
	p2 =	sne.s32 s9, $0x4  }
.Ltmp1:
0xd: {  	_ = 	snop;
	(pc) =	sbr.rel @!p2 .LBB2_10-.Ltmp1, $4  }
0xe: {  	s12 =	simm.s32 @!p1 $0x3  }
0xf: {  	_ =	swait.ge @!p1 [sflag:s12], $0xC000  }
0x10: {  	p0 =	por !p0, !p0;
	[sflag:s12] =	ssyncset.done @!p1 $0x0  }
0x11: {  	s11 =	smov.u32 s10;
	s10 =	smov.u32 s13;
	[sflag:s12] =	ssyncadd.s32 @!p1 $0xFFFF4000  }
.LBB2_1:
0x12: {  	p1 =	sgt.u32 s9, $0x1  }
0x13: {  	s12 =	sshll.u32 @!p1 s9, $0x6;
	s13 =	sshrl.u32 @!p1 s10, $0x3  }
0x14: {  	s14 =	sand.u32 @!p1 $0x7, s10;
	s12 =	sxor.u32 @!p1 $0x40, s12;
	s13 =	sadd.s32 @!p1 s3, s13  }
0x15: {  	[tilespmem:s12], [sflag:$0x2] =	stream.linear.gather @!p1 [hbm4b:s13+s14], $0x40, $0x38;
	[tilespmem:$0x18080] =	vst v63  }
0x16: {  	p1 =	seq.s32 s9, $0x0  }
0x17: {  	p2 =	seq.s32 @!p1 s9, $0x3  }
0x18: {  	p1 =	por p1, p2  }
.Ltmp2:
0x19: {  	_ = 	snop;
	(pc) =	sbr.rel @p1 .LBB2_9-.Ltmp2, $1  }
0x1a: {  	_ =	sdelay $0x3  }
0x1b: {  	s12 =	simm.s32 $0x1  }
0x1c: {  	s12 =	simm.s32 @!p0 $0x0  }
0x1d: {  	s12 =	smul.u32 $0x30000, s12;
	_ =	sdelay $0x1  }
0x1e: {  	_ =	swait.ge [sflag:s5], $0x40;
	s13 =	sand.u32 $0x1, s9;
	s12 =	sshrl.u32 s12, $0x2  }
0x1f: {  	s14 =	simm.s32 $0x0;
	[sflag:s5] =	ssyncset.done $0x0;
	s12 =	sor.u32 $0x80, s12  }
0x20: {  	s13 =	sshll.u32 s13, $0x6;
	[sflag:s5] =	ssyncadd.s32 $0xFFFFFFC0;
	s15 =	smov.u32 s12  }
.LBB2_3:
0x21: {  	s16 =	sshll.u32 s14, $0x4  }
0x22: {  	s16 =	sand.u32 $0x3FFFFFF0, s16  }
0x23: {  	s16 =	sadd.s32 s16, s13  }
0x24: {  	v0 =	vld.msk [tilespmem:s16+$0x0 ss:$0x1], $0xffff;
	_ =	sdelay $0x4  }
0x25: {  	vm2 =	vgt.s32 v0, $0x0  }
0x26: {  	v0 =	vnsel vm2, $0x0, v0  }
0x27: {  	v0 =	vmin.u32 v0, $0x5FFF  }
0x28: {  	v1 =	vshrl.u32 v0, $0x3  }
0x29: {  	v0 =	vshll.u32 v0, $0x7;
	v1 =	vmul.u32 $0x1800, v1  }
0x2a: {  	v0 =	vand.u32 $0x380, v0  }
0x2b: {  	v0 =	vor.u32 v0, v1  }
0x2c: {  	v0 =	vshrl.u32 v0, $0x3;
	_ =	sdelay $0x3  }
0x2d: {  	s17 =	sadd.s32 $0x0, s15  }
0x2e: {  	[tilespmem:s17], [sflag:$0x1] =	stream.indirect_vreg.gather [hbm:s2], $0x80, v0, vm0, $0x38;
	[tilespmem:$0x18080] =	vst v63  }
0x2f: {  	s16 =	simm.s32 $0x1000;
	v1 =	vadd.s32 $0x80, v0;
	s17 =	sadd.s32 $0x1800, s17  }
.LBB2_4:
0x30: {  	[tilespmem:s17], [sflag:$0x1] =	stream.indirect_vreg.gather [hbm:s2], $0x80, v0, vm1, $0x38;
	[tilespmem:$0x18080] =	vst v63  }
0x31: {  	v0 =	vmov v1;
	s17 =	smov.u32 s16;
	p1 =	sne.s32 s16, $0x5000  }
.Ltmp3:
0x32: {  	s16 =	sadd.s32 $0x1000, s16;
	(pc) =	sbr.rel @p1 .LBB2_4-.Ltmp3, $4  }
0x33: {  	s17 =	sshra.s32 s17, $0x2  }
0x34: {  	s17 =	sadd.s32 s17, s15  }
0x35: {  	[tilespmem:s17], [sflag:$0x1] =	stream.indirect_vreg.gather [hbm:s2], $0x80, v1, vm0, $0x38;
	[tilespmem:$0x18080] =	vst v63  }
0x36: {  	s17 =	sadd.s32 $0x1800, s17;
	v1 =	vadd.s32 $0x80, v1  }
0x37: {  	s14 =	sadd.s32 $0x1, s14  }
0x38: {  	p1 =	sne.s32 s14, $0x4  }
.Ltmp4:
0x39: {  	_ = 	snop;
	(pc) =	sbr.rel @p1 .LBB2_3-.Ltmp4, $3  }
0x3a: {  	_ =	sdelay $0x1  }
0x3b: {  	[tilespmem:s17], [sflag:$0x1] =	stream.indirect_vreg.gather [hbm:s2], $0x80, v0, vm1, $0x38;
	[tilespmem:$0x18080] =	vst v63  }
0x3c: {  	s15 =	sadd.s32 $0x3000, s15  }
0x3d: {  	s13 =	sshrl.u32 s11, $0x3  }
0x3e: {  	s13 =	smul.u32 $0x300, s13  }
0x3f: {  	s31 =	sshll.u32 s11, $0x4  }
0x40: {  	_ =	swait.ge [sflag:s4], $0xC000;
	s11 =	sand.u32 $0x70, s31;
	s13 =	sadd.s32 s13, s7  }
0x41: {  	s14 =	sadd.s32 $0x1800, s12;
	[sflag:s4] =	ssyncset.done $0x0;
	s11 =	sadd.s32 s11, s13  }
0x42: {  	[sflag:s4] =	ssyncadd.s32 $0xFFFF4000;
	s13 =	simm.s32 $0x300;
	s15 =	sadd.s32 $0x0, s11  }
.LBB2_7:
0x43: {  	[hbm:s15] =	stream.linear.scatter [tilespmem:s12], [sflag:$0x3], $0x1800, $0x38;
	[tilespmem:$0x18080] =	vst v63  }
0x44: {  	s15 =	smov.u32 s13;
	s12 =	smov.u32 s14;
	p1 =	sne.s32 s13, $0x1500  }
.Ltmp5:
0x45: {  	s13 =	sadd.s32 $0x300, s13;
	(pc) =	sbr.rel @p1 .LBB2_7-.Ltmp5, $2  }
0x46: {  	_ =	sdelay $0x2  }
0x47: {  	s14 =	sadd.s32 $0x1800, s14;
	s15 =	sadd.s32 s15, s11  }
.Ltmp6:
0x48: {  	(pc) =	sbr.rel .LBB2_9-.Ltmp6, $2  }
0x49: {  	_ =	sdelay $0x2  }
0x4a: {  	[hbm:s15] =	stream.linear.scatter [tilespmem:s12], [sflag:$0x3], $0x1800, $0x38;
	[tilespmem:$0x18080] =	vst v63  }
.LBB2_10:
0x4b: {  	_ =	sfence.sel $0x180000  }
0x4c: {  	s2 =	simm.s32 $0x2;
	[bflag:$0x0] =	sbarrier.arrive $0xFFFF  }
0x4d: {  	s30 =	simm.s32 $0x3;
	[sflag:s2] =	ssyncpa.u1 $0x1  }
0x4e: {  	s31 =	simm.s32 $0x1;
	[sflag:s30] =	ssyncpa.u1 $0x1  }
0x4f: {  	[sflag:s31] =	ssyncpa.u1 $0x1  }
0x50: {  	p0 =	sne.s32 s1, $0x0;
	_ =	strace $0x9000004A  }
0x51: {  	s0 =	sadd.s32 @!p0 $0x100000, s0;
	[bflag:$0x2] =	sbarrier.arrive $0xFFFF  }
0x52: {  	[sflag:s0] =	ssyncadd.tile.s32 @!p0 $0x1;
	_ =	shalt  }
.Lfunc_end2:
_tile_overlayer_lowered:
.L_overlay_start_2:
0x53: {  	(tag) =	ssettag $0x2  }
0x54: {  	s0 =	rddreg [dreg:$0x0];
	s2 =	stileid.u32  }
0x55: {  	s1 =	rddreg [dreg:$0x1];
	p0 =	sne.s32 s2, $0x0  }
0x56: {  	s3 =	rddreg [dreg:$0x2];
	[bflag:$0x3] =	sbarrier.arrive $0xFFFF;
	s2 =	simm.s32 @!p0 $0x1C01  }
0x57: {  	[timem:s3], [sflag:s2] =	dma.local @!p0 [hbm:s0], s1  }
0x58: {  	s0 =	simm.s32 @!p0 $0x1  }
0x59: {  	_ =	swait.ge @!p0 [sflag:s0], s1  }
0x5a: {  	s1 =	ssub.s32 @!p0 $0x0, s1;
	[sflag:s0] =	ssyncset.done @!p0 $0x0  }
0x5b: {  	[sflag:s0] =	ssyncadd.s32 @!p0 s1  }
0x5c: {  	[bflag:$0x3] =	sbarrier.arrive $0xFFFF  }
0x5d: {  	_ =	shalt  }

// kernel: gather_offload_async_start
scs
__scs_entry_jumppad:
0x0: {  	(pc) =	sbr.rel $0x88, $3  }
0x1: {  	(tag) =	ssettag $0x0;
	lr =	simm.s32 $0x1  }
0x2: {  	[smem:$0x3F98] =	sst lr;
	_ =	strace $0xD0000000  }
0x3: {  	_ = 	snop  }
0x4: {  	_ = 	snop  }
0x5: {  	_ = 	snop  }
0x6: {  	_ = 	snop  }
0x7: {  	_ = 	snop  }
__scs_overlays_trampoline_lowered:
0x8: {  	[smem:$0x3FA7] =	sst s0  }
0x9: {  	[smem:$0x3FA8] =	sst s1  }
0xa: {  	[smem:$0x3FA9] =	sst s2  }
0xb: {  	[smem:$0x3FAA] =	sst s3  }
0xc: {  	[smem:$0x3FAB] =	sst s4  }
0xd: {  	[smem:$0x3FAC] =	sst s5  }
0xe: {  	[smem:$0x3FAD] =	sst s6  }
0xf: {  	[smem:$0x3FAE] =	sst s7  }
0x10: {  	[smem:$0x3FAF] =	sst s8  }
0x11: {  	[smem:$0x3FB0] =	sst s9;
	s0 =	simm.s32 @!p0 $0x0  }
0x12: {  	s1 =	sld [smem:$0x3F96];
	s0 =	simm.s32 @p0 $0x1  }
0x13: {  	[smem:$0x3FB1] =	sst s0;
	s0 =	simm.s32 @!p1 $0x0  }
0x14: {  	s2 =	sld [smem:$0x3F95];
	s0 =	simm.s32 @p1 $0x1  }
0x15: {  	[smem:$0x3FB2] =	sst s0;
	s0 =	simm.s32 @!p2 $0x0  }
0x16: {  	s3 =	sld [smem:$0x3FDB];
	s0 =	simm.s32 @p2 $0x1  }
0x17: {  	s4 =	simm.s32 $0x1BF5;
	[smem:$0x3FB4] =	sst s0  }
0x18: {  	s0 =	sld [smem:$0x3F97];
	_ =	swait.ge [sflag:s4], $0x0  }
0x19: {  	s7 =	sld [smem:$0x3F98]  }
0x1a: {  	s8 =	sadd.s32 $0xFFFFE003, lr  }
0x1b: {  	s9 =	sadd.s32 $0xFFFFFEF7, lr;
	s5 =	simm.s32 $0xFFFFFFFF;
	p2 =	slt.u32 s8, $0xFFFFF086  }
0x1c: {  	p1 =	slt.u32 s9, $0xF7A;
	s5 =	simm.s32 @!p2 $0x0  }
0x1d: {  	s5 =	simm.s32 @p1 $0x1;
	p0 =	seq.s32 s7, s2  }
0x1e: {  	s7 =	smul.u32 @!p0 $0xF7A, s2;
	p2 =	seq.s32 @!p0 s5, $0x0  }
0x1f: {  	s9 =	smul.u32 $0xF7A, s1;
	s8 =	simm.s32 @!p0 $0x1BF5;
	p2 =	por !p2, p0  }
0x20: {  	[sflag:s8] =	ssyncset.s32 @!p0 $0xFFFFF086;
	s6 =	sadd.s32 @!p0 s3, s7;
	s7 =	simm.s32 @!p0 $0x108  }
0x21: {  	s3 =	sadd.s32 s3, s9;
	s6 =	sadd.s32 @!p0 $0x88, s6;
	s7 =	simm.s32 @p2 $0x1082  }
0x22: {  	[simem:s7], [sflag:s8] =	dma.local @!p0 [hbm:s6], $0xF7A  }
0x23: {  	s9 =	sor.u32 $0xD0000000, s2;
	s6 =	simm.s32 $0x108;
	_ =	swait.ge @!p0 [sflag:s8], $0x0  }
0x24: {  	s3 =	sadd.s32 $0x88, s3;
	s6 =	simm.s32 @!p1 $0x1082;
	[sflag:s4] =	ssyncset.s32 $0xFFFFF086  }
0x25: {  	[simem:s6], [sflag:s4] =	dma.local [hbm:s3], $0xF7A  }
0x26: {  	[smem:$0x3F98] =	sst s1;
	(tag) =	ssettag s2;
	_ =	strace s9  }
0x27: {  	s1 =	sld [smem:$0x3FA8]  }
0x28: {  	s2 =	sld [smem:$0x3FA9]  }
0x29: {  	s4 =	sld [smem:$0x3FAB]  }
0x2a: {  	p0 =	seq.s32 s5, $0x0;
	s5 =	sld [smem:$0x3FAC]  }
0x2b: {  	s6 =	sld [smem:$0x3FAD]  }
0x2c: {  	s7 =	sld [smem:$0x3FAE]  }
0x2d: {  	s3 =	simm.s32 $0x108;
	s8 =	sld [smem:$0x3FAF]  }
0x2e: {  	s3 =	simm.s32 @!p0 $0x1082;
	s9 =	sld [smem:$0x3FB0]  }
0x2f: {  	lr =	sadd.s32 s0, s3;
	s0 =	sld [smem:$0x3FA7]  }
0x30: {  	s3 =	sld [smem:$0x3FAA]  }
0x31: {  	[smem:$0x3FB3] =	sst s10  }
0x32: {  	s10 =	sld [smem:$0x3FB1];
	_ =	sdelay $0x3  }
0x33: {  	p0 =	seq.s32 s10, $0x1;
	s10 =	sld [smem:$0x3FB3];
	_ =	sdelay $0x3  }
0x34: {  	[smem:$0x3FB3] =	sst s10  }
0x35: {  	s10 =	sld [smem:$0x3FB2];
	_ =	sdelay $0x3  }
0x36: {  	p1 =	seq.s32 s10, $0x1;
	s10 =	sld [smem:$0x3FB3];
	_ =	sdelay $0x3  }
0x37: {  	[smem:$0x3FB3] =	sst s10  }
0x38: {  	s10 =	sld [smem:$0x3FB4]  }
0x39: {  	_ = 	snop;
	(pc) =	sbr.ind lr, $3  }
0x3a: {  	_ = 	snop  }
0x3b: {  	_ = 	snop  }
0x3c: {  	p2 =	seq.s32 s10, $0x1;
	s10 =	sld [smem:$0x3FB3]  }
0x3d: {  	_ =	shalt  }
0x3e: {  	_ =	shalt  }
0x3f: {  	_ =	shalt  }
0x40: {  	_ =	shalt  }
0x41: {  	_ =	shalt  }
0x42: {  	_ =	shalt  }
0x43: {  	_ =	shalt  }
0x44: {  	_ =	shalt  }
0x45: {  	_ =	shalt  }
0x46: {  	_ =	shalt  }
0x47: {  	_ =	shalt  }
0x48: {  	_ =	shalt  }
0x49: {  	_ =	shalt  }
0x4a: {  	_ =	shalt  }
0x4b: {  	_ =	shalt  }
0x4c: {  	_ =	shalt  }
0x4d: {  	_ =	shalt  }
0x4e: {  	_ =	shalt  }
0x4f: {  	_ =	shalt  }
0x50: {  	_ =	shalt  }
0x51: {  	_ =	shalt  }
0x52: {  	_ =	shalt  }
0x53: {  	_ =	shalt  }
0x54: {  	_ =	shalt  }
0x55: {  	_ =	shalt  }
0x56: {  	_ =	shalt  }
0x57: {  	_ =	shalt  }
0x58: {  	_ =	shalt  }
0x59: {  	_ =	shalt  }
0x5a: {  	_ =	shalt  }
0x5b: {  	_ =	shalt  }
0x5c: {  	_ =	shalt  }
0x5d: {  	_ =	shalt  }
0x5e: {  	_ =	shalt  }
0x5f: {  	_ =	shalt  }
0x60: {  	_ =	shalt  }
0x61: {  	_ =	shalt  }
0x62: {  	_ =	shalt  }
0x63: {  	_ =	shalt  }
0x64: {  	_ =	shalt  }
0x65: {  	_ =	shalt  }
0x66: {  	_ =	shalt  }
0x67: {  	_ =	shalt  }
0x68: {  	_ =	shalt  }
0x69: {  	_ =	shalt  }
0x6a: {  	_ =	shalt  }
0x6b: {  	_ =	shalt  }
0x6c: {  	_ =	shalt  }
0x6d: {  	_ =	shalt  }
0x6e: {  	_ =	shalt  }
0x6f: {  	_ =	shalt  }
0x70: {  	_ =	shalt  }
0x71: {  	_ =	shalt  }
0x72: {  	_ =	shalt  }
0x73: {  	_ =	shalt  }
0x74: {  	_ =	shalt  }
0x75: {  	_ =	shalt  }
0x76: {  	_ =	shalt  }
0x77: {  	_ =	shalt  }
0x78: {  	_ =	shalt  }
0x79: {  	_ =	shalt  }
0x7a: {  	_ =	shalt  }
0x7b: {  	_ =	shalt  }
0x7c: {  	_ =	shalt  }
0x7d: {  	_ =	shalt  }
0x7e: {  	_ =	shalt  }
0x7f: {  	_ =	shalt  }
0x80: {  	_ =	shalt  }
0x81: {  	_ =	shalt  }
0x82: {  	_ =	shalt  }
0x83: {  	_ =	shalt  }
0x84: {  	_ =	shalt  }
0x85: {  	_ =	shalt  }
0x86: {  	_ =	shalt  }
0x87: {  	_ =	shalt  }
.Lfunc_end0:
.L_simem_size_0:
called_computation_lowered:
.L_overlay_start_0:
0x88: {  	s2 =	sld [smem:$0x3FD9]  }
0x89: {  	s3 =	sld [smem:$0x3FFE];
	_ =	sdelay $0x1  }
0x8a: {  	s1 =	srdreg.scid  }
0x8b: {  	s0 =	sand.u32 $0x1, s1  }
0x8c: {  	s15 =	sshll.u32 s0, $0xA;
	s2 =	sadd.s32 s3, s2  }
0x8d: {  	s2 =	sadd.s32 s2, s15  }
0x8e: {  	[smem:$0x3FBF] =	sst s2  }
0x8f: {  	_ = 	snop  }
0x90: {  	s2 =	sld [smem:$0x3FD0];
	_ =	sdelay $0x2  }
0x91: {  	s16 =	simm.s32 $0xB;
	s4 =	simm.s32 $0x10  }
0x92: {  	[smem:s4], [sflag:s16] =	dma.local [hbm:s2], $0x1  }
0x93: {  	_ =	swait.eq [sflag:s16], $0x1  }
0x94: {  	[sflag:s16] =	ssyncset.done $0x0  }
0x95: {  	[sflag:s16] =	ssyncadd.s32 $0xFFFFFFFF  }
0x96: {  	s17 =	sld [smem:$0x10];
	(tm) =	ssettm $0x1  }
0x97: {  	s18 =	sld [smem:$0x3FFB];
	_ =	sdelay $0x3  }
0x98: {  	_ =	strace s18  }
0x99: {  	s2 =	sld [smem:$0x3FFC];
	_ =	sdelay $0x3  }
0x9a: {  	_ =	strace s2  }
0x9b: {  	s2 =	sld [smem:$0x3FFD];
	_ =	sdelay $0x3  }
0x9c: {  	_ =	strace s2  }
0x9d: {  	_ =	strace $0x8FFFFFFF  }
0x9e: {  	s19 =	sld [smem:$0x3FDB];
	_ =	sdelay $0x1  }
0x9f: {  	s20 =	simm.s32 $_scs_section_size  }
0xa0: {  	s5 =	simm.s32 $_size__tile_overlayer_lowered;
	s6 =	simm.s32 $_tile_overlayer_lowered  }
0xa1: {  	s7 =	simm.s32 $0x1BFF;
	s21 =	sshll.u32 s6, $0x1;
	s4 =	sadd.s32 s20, s19  }
0xa2: {  	s22 =	simm.s32 $0x0;
	s5 =	sshll.u32 s5, $0x1;
	s6 =	sadd.s32 s21, s4  }
0xa3: {  	[timem:s22], [sflag:s7] =	dma.local [hbm:s6], s5  }
0xa4: {  	_ =	swait.ge [sflag:s7], s5  }
0xa5: {  	s5 =	ssub.s32 $0x0, s5;
	[sflag:s7] =	ssyncset.done $0x0  }
0xa6: {  	[sflag:s7] =	ssyncadd.s32 s5;
	_ =	sdelay $0x1  }
0xa7: {  	s23 =	simm.s32 $0x1B8B  }
0xa8: {  	_ =	swait.ge [sflag:s23], $0x1  }
0xa9: {  	[sflag:s23] =	ssyncset.done $0x0  }
0xaa: {  	[sflag:s23] =	ssyncadd.s32 $0xFFFFFFFF  }
0xab: {  	s5 =	sld [smem:$0x0]  }
0xac: {  	s6 =	sand.u32 $0xFFFFFFFE, s1  }
0xad: {  	p0 =	sne.s32 s1, s6  }
0xae: {  	s6 =	sshll.u32 @p0 s6, $0xE  }
0xaf: {  	s6 =	sadd.s32 @p0 $0x11B8D, s6;
	s7 =	sshll.u32 @p0 s5, $0x11  }
0xb0: {  	s6 =	sor.u32 @p0 s7, s6  }
0xb1: {  	[sflag:s6] =	ssyncadd.remote.s32 @p0 $0x1;
	_ =	sdelay $0x1  }
0xb2: {  	s6 =	simm.s32 @p0 $0x1B8D  }
0xb3: {  	_ =	swait.eq @p0 [sflag:s6], $0x1  }
0xb4: {  	[sflag:s6] =	ssyncadd.s32 @p0 $0xFFFFFFFF  }
0xb5: {  	s7 =	sshll.u32 @!p0 s1, $0xE  }
0xb6: {  	s7 =	sor.u32 @!p0 $0x4000, s7;
	s6 =	simm.s32 @!p0 $0x1B8D  }
0xb7: {  	s5 =	sshll.u32 @!p0 s5, $0x11;
	s7 =	sadd.s32 @!p0 $0x11B8D, s7;
	_ =	swait.eq @!p0 [sflag:s6], $0x1  }
0xb8: {  	s5 =	sor.u32 @!p0 s5, s7;
	[sflag:s6] =	ssyncadd.s32 @!p0 $0xFFFFFFFF  }
0xb9: {  	s25 =	simm.s32 $0x1B8E;
	s24 =	sld [smem:$0x3FFE];
	[sflag:s5] =	ssyncadd.remote.s32 @!p0 $0x1  }
0xba: {  	s26 =	simm.s32 $execute0_lowered;
	[smem:$0x3FD2] =	sst s25  }
0xbb: {  	s6 =	sshll.u32 s26, $0x1;
	_ =	strace $0x8000004C;
	[dreg:$0x1] =	wrdreg $0xFFFFFFFF  }
0xbc: {  	s28 =	simm.s32 $_size_execute0_lowered;
	s4 =	sadd.s32 s4, s6;
	[dreg:$0x0] =	wrdreg $0x0  }
0xbd: {  	s6 =	sshll.u32 s28, $0x1;
	[dreg:$0x2] =	wrdreg s4  }
0xbe: {  	[dreg:$0x3] =	wrdreg s6  }
0xbf: {  	[dreg:$0x4] =	wrdreg $0xC0  }
0xc0: {  	_ =	task [dreg:s22], $0x5FFFF  }
0xc1: {  	[dreg:$0x1] =	wrdreg $0xFFFFFFFF  }
0xc2: {  	[dreg:$0x0] =	wrdreg $0x60  }
0xc3: {  	[dreg:$0x2] =	wrdreg s24  }
0xc4: {  	[dreg:$0x3] =	wrdreg s17  }
0xc5: {  	[dreg:$0x4] =	wrdreg $0x9  }
0xc6: {  	_ =	task.clear_ibuf [dreg:s22], $0x5FFFF;
	_ =	strace $0x9000004C  }
0xc7: {  	s29 =	simm.s32 $0x9;
	_ =	strace $0x8000004E  }
0xc8: {  	_ =	swait.ge [sflag:s29], $0x1  }
0xc9: {  	[sflag:s29] =	ssyncadd.s32 $0xFFFFFFFF  }
0xca: {  	_ =	strace $0x9000004E  }
0xcb: {  	_ =	sfence  }
0xcc: {  	s30 =	sld [smem:$0x0];
	_ =	sdelay $0x2  }
0xcd: {  	s31 =	sshll.u32 s1, $0xD;
	s1 =	sshrl.u32 s1, $0x2  }
0xce: {  	s4 =	sand.u32 $0x4000, s31;
	s1 =	sadd.s32 s1, s30  }
0xcf: {  	s0 =	sor.u32 s4, s0;
	s1 =	sshll.u32 s1, $0x11  }
0xd0: {  	s0 =	sor.u32 s1, s0  }
0xd1: {  	s0 =	sadd.s32 $0x8F2B, s0  }
0xd2: {  	[sflag:s0] =	ssyncadd.remote.s32 $0x1  }
0xd3: {  	_ =	sfence.sel $0xFFFF  }
0xd4: {  	[dreg:$0x0] =	wrdreg $0xFFFFFFFF;
	(pc) =	sbr.abs _section_cstart, $3  }
0xd5: {  	[dreg:$0x1] =	wrdreg $0xFFFFFFFF  }
0xd6: {  	_ =	task.clear_ibuf [dreg:s22], $0x2FFFF;
	_ =	strace $0x9FFFFFFF  }
0xd7: {  	(tm) =	ssettm $0x7FFFFFFF  }
tec
execute0_lowered:
.L_overlay_start_1:
0x0: {  	(tag) =	ssettag $0x1  }
0x1: {  	s7 =	rddreg [dreg:$0x0]  }
0x2: {  	s2 =	rddreg [dreg:$0x1]  }
0x3: {  	s0 =	rddreg [dreg:$0x2]  }
0x4: {  	s1 =	srdreg.scid;
	_ =	strace $0x8000004D;
	s4 =	simm.s32 $0x1  }
0x5: {  	s9 =	simm.s32 $0x3;
	s11 =	simm.s32 $0x0;
	s5 =	sshll.u32 s1, $0x4  }
.Ltmp0:
0x6: {  	s1 =	stileid.u32;
	s5 =	sand.u32 $0x10, s5;
	(pc) =	sbr.rel .LBB2_1-.Ltmp0, $4  }
0x7: {  	p0 =	por $0x0, $0x0;
	s3 =	sadd.s32 $0x262400, s7;
	s6 =	sor.u32 s1, s5  }
0x8: {  	[sflag:s4] =	ssyncpa.u1 $0x0;
	s5 =	simm.s32 $0x2;
	s6 =	sshll.u32 s6, $0x7  }
0x9: {  	s7 =	sadd.s32 $0x82000, s7;
	[sflag:s5] =	ssyncpa.u1 $0x0;
	s8 =	sadd.s32 $0x80, s6  }
0xa: {  	vm0 =	vmmov $0xff;
	vm1 =	vcmask $0x3F20;
	[sflag:s9] =	ssyncpa.u1 $0x0;
	s10 =	smov.u32 s6;
	s9 =	simm.s32 $0x0  }
.LBB2_9:
0xb: {  	p1 =	slt.u32 s9, $0x2;
	s11 =	sadd.s32 $0x40, s10  }
0xc: {  	s13 =	smov.u32 s6;
	s9 =	sadd.s32 $0x1, s9;
	p2 =	slt.s32 s11, s8  }
0xd: {  	s13 =	smov.u32 @p2 s11;
	p2 =	sne.s32 s9, $0x4  }
.Ltmp1:
0xe: {  	_ = 	snop;
	(pc) =	sbr.rel @!p2 .LBB2_10-.Ltmp1, $4  }
0xf: {  	s12 =	simm.s32 @!p1 $0x3  }
0x10: {  	_ =	swait.ge @!p1 [sflag:s12], $0xC000  }
0x11: {  	p0 =	por !p0, !p0;
	[sflag:s12] =	ssyncset.done @!p1 $0x0  }
0x12: {  	s11 =	smov.u32 s10;
	s10 =	smov.u32 s13;
	[sflag:s12] =	ssyncadd.s32 @!p1 $0xFFFF4000  }
.LBB2_1:
0x13: {  	p1 =	sgt.u32 s9, $0x1  }
0x14: {  	s12 =	sshll.u32 @!p1 s9, $0x6;
	s13 =	sshrl.u32 @!p1 s10, $0x3  }
0x15: {  	s14 =	sand.u32 @!p1 $0x7, s10;
	s12 =	sxor.u32 @!p1 $0x40, s12;
	s13 =	sadd.s32 @!p1 s7, s13  }
0x16: {  	[tilespmem:s12], [sflag:$0x2] =	stream.linear.gather @!p1 [hbm4b:s13+s14], $0x40, $0x38;
	[tilespmem:$0x18080] =	vst v63  }
0x17: {  	p1 =	seq.s32 s9, $0x0  }
0x18: {  	p2 =	seq.s32 @!p1 s9, $0x3  }
0x19: {  	p1 =	por p1, p2  }
.Ltmp2:
0x1a: {  	_ = 	snop;
	(pc) =	sbr.rel @p1 .LBB2_9-.Ltmp2, $1  }
0x1b: {  	_ =	sdelay $0x3  }
0x1c: {  	s12 =	simm.s32 $0x1  }
0x1d: {  	s12 =	simm.s32 @!p0 $0x0  }
0x1e: {  	s12 =	smul.u32 $0x30000, s12;
	_ =	sdelay $0x1  }
0x1f: {  	_ =	swait.ge [sflag:s5], $0x40;
	s13 =	sand.u32 $0x1, s9;
	s12 =	sshrl.u32 s12, $0x2  }
0x20: {  	s14 =	simm.s32 $0x0;
	[sflag:s5] =	ssyncset.done $0x0;
	s12 =	sor.u32 $0x80, s12  }
0x21: {  	s13 =	sshll.u32 s13, $0x6;
	[sflag:s5] =	ssyncadd.s32 $0xFFFFFFC0;
	s15 =	smov.u32 s12  }
.LBB2_3:
0x22: {  	s16 =	sshll.u32 s14, $0x4  }
0x23: {  	s16 =	sand.u32 $0x3FFFFFF0, s16  }
0x24: {  	s16 =	sadd.s32 s16, s13  }
0x25: {  	v0 =	vld.msk [tilespmem:s16+$0x0 ss:$0x1], $0xffff;
	_ =	sdelay $0x4  }
0x26: {  	vm2 =	vgt.s32 v0, $0x0  }
0x27: {  	v0 =	vnsel vm2, $0x0, v0  }
0x28: {  	v0 =	vmin.u32 v0, $0x5FFF  }
0x29: {  	v1 =	vshrl.u32 v0, $0x3  }
0x2a: {  	v0 =	vshll.u32 v0, $0x7;
	v1 =	vmul.u32 $0x1800, v1  }
0x2b: {  	v0 =	vand.u32 $0x380, v0  }
0x2c: {  	v0 =	vor.u32 v0, v1  }
0x2d: {  	v0 =	vshrl.u32 v0, $0x3;
	_ =	sdelay $0x3  }
0x2e: {  	s17 =	sadd.s32 $0x0, s15  }
0x2f: {  	[tilespmem:s17], [sflag:$0x1] =	stream.indirect_vreg.gather [hbm:s3], $0x80, v0, vm0, $0x38;
	[tilespmem:$0x18080] =	vst v63  }
0x30: {  	s16 =	simm.s32 $0x1000;
	v1 =	vadd.s32 $0x80, v0;
	s17 =	sadd.s32 $0x1800, s17  }
.LBB2_4:
0x31: {  	[tilespmem:s17], [sflag:$0x1] =	stream.indirect_vreg.gather [hbm:s3], $0x80, v0, vm1, $0x38;
	[tilespmem:$0x18080] =	vst v63  }
0x32: {  	v0 =	vmov v1;
	s17 =	smov.u32 s16;
	p1 =	sne.s32 s16, $0x5000  }
.Ltmp3:
0x33: {  	s16 =	sadd.s32 $0x1000, s16;
	(pc) =	sbr.rel @p1 .LBB2_4-.Ltmp3, $4  }
0x34: {  	s17 =	sshra.s32 s17, $0x2  }
0x35: {  	s17 =	sadd.s32 s17, s15  }
0x36: {  	[tilespmem:s17], [sflag:$0x1] =	stream.indirect_vreg.gather [hbm:s3], $0x80, v1, vm0, $0x38;
	[tilespmem:$0x18080] =	vst v63  }
0x37: {  	s17 =	sadd.s32 $0x1800, s17;
	v1 =	vadd.s32 $0x80, v1  }
0x38: {  	s14 =	sadd.s32 $0x1, s14  }
0x39: {  	p1 =	sne.s32 s14, $0x4  }
.Ltmp4:
0x3a: {  	_ = 	snop;
	(pc) =	sbr.rel @p1 .LBB2_3-.Ltmp4, $3  }
0x3b: {  	_ =	sdelay $0x1  }
0x3c: {  	[tilespmem:s17], [sflag:$0x1] =	stream.indirect_vreg.gather [hbm:s3], $0x80, v0, vm1, $0x38;
	[tilespmem:$0x18080] =	vst v63  }
0x3d: {  	s15 =	sadd.s32 $0x3000, s15  }
0x3e: {  	s13 =	sshrl.u32 s11, $0x3  }
0x3f: {  	s13 =	smul.u32 $0x300, s13  }
0x40: {  	s31 =	sshll.u32 s11, $0x4  }
0x41: {  	_ =	swait.ge [sflag:s4], $0xC000;
	s11 =	sand.u32 $0x70, s31;
	s13 =	sadd.s32 s13, s2  }
0x42: {  	s14 =	sadd.s32 $0x1800, s12;
	[sflag:s4] =	ssyncset.done $0x0;
	s11 =	sadd.s32 s11, s13  }
0x43: {  	[sflag:s4] =	ssyncadd.s32 $0xFFFF4000;
	s13 =	simm.s32 $0x300;
	s15 =	sadd.s32 $0x0, s11  }
.LBB2_7:
0x44: {  	[hbm:s15] =	stream.linear.scatter [tilespmem:s12], [sflag:$0x3], $0x1800, $0x38;
	[tilespmem:$0x18080] =	vst v63  }
0x45: {  	s15 =	smov.u32 s13;
	s12 =	smov.u32 s14;
	p1 =	sne.s32 s13, $0x1500  }
.Ltmp5:
0x46: {  	s13 =	sadd.s32 $0x300, s13;
	(pc) =	sbr.rel @p1 .LBB2_7-.Ltmp5, $2  }
0x47: {  	_ =	sdelay $0x2  }
0x48: {  	s14 =	sadd.s32 $0x1800, s14;
	s15 =	sadd.s32 s15, s11  }
.Ltmp6:
0x49: {  	(pc) =	sbr.rel .LBB2_9-.Ltmp6, $2  }
0x4a: {  	_ =	sdelay $0x2  }
0x4b: {  	[hbm:s15] =	stream.linear.scatter [tilespmem:s12], [sflag:$0x3], $0x1800, $0x38;
	[tilespmem:$0x18080] =	vst v63  }
.LBB2_10:
0x4c: {  	_ =	sfence.sel $0x180000  }
0x4d: {  	s2 =	simm.s32 $0x2;
	[bflag:$0x0] =	sbarrier.arrive $0xFFFF  }
0x4e: {  	s30 =	simm.s32 $0x3;
	[sflag:s2] =	ssyncpa.u1 $0x1  }
0x4f: {  	s31 =	simm.s32 $0x1;
	[sflag:s30] =	ssyncpa.u1 $0x1  }
0x50: {  	[sflag:s31] =	ssyncpa.u1 $0x1  }
0x51: {  	p0 =	sne.s32 s1, $0x0;
	_ =	strace $0x9000004D  }
0x52: {  	s0 =	sadd.s32 @!p0 $0x100000, s0;
	[bflag:$0x2] =	sbarrier.arrive $0xFFFF  }
0x53: {  	[sflag:s0] =	ssyncadd.tile.s32 @!p0 $0x1;
	_ =	shalt  }
.Lfunc_end2:
_tile_overlayer_lowered:
.L_overlay_start_2:
0x54: {  	(tag) =	ssettag $0x2  }
0x55: {  	s0 =	rddreg [dreg:$0x0];
	s2 =	stileid.u32  }
0x56: {  	s1 =	rddreg [dreg:$0x1];
	p0 =	sne.s32 s2, $0x0  }
0x57: {  	s3 =	rddreg [dreg:$0x2];
	[bflag:$0x3] =	sbarrier.arrive $0xFFFF;
	s2 =	simm.s32 @!p0 $0x1C01  }
0x58: {  	[timem:s3], [sflag:s2] =	dma.local @!p0 [hbm:s0], s1  }
0x59: {  	s0 =	simm.s32 @!p0 $0x1  }
0x5a: {  	_ =	swait.ge @!p0 [sflag:s0], s1  }
0x5b: {  	s1 =	ssub.s32 @!p0 $0x0, s1;
	[sflag:s0] =	ssyncset.done @!p0 $0x0  }
0x5c: {  	[sflag:s0] =	ssyncadd.s32 @!p0 s1  }
0x5d: {  	[bflag:$0x3] =	sbarrier.arrive $0xFFFF  }
0x5e: {  	_ =	shalt  }

// kernel: kernel.8.cloned.1.call-start
scs
__scs_entry_jumppad:
0x0: {  	(pc) =	sbr.rel $0x88, $3  }
0x1: {  	(tag) =	ssettag $0x0;
	lr =	simm.s32 $0x1  }
0x2: {  	[smem:$0x3F98] =	sst lr;
	_ =	strace $0xD0000000  }
0x3: {  	_ = 	snop  }
0x4: {  	_ = 	snop  }
0x5: {  	_ = 	snop  }
0x6: {  	_ = 	snop  }
0x7: {  	_ = 	snop  }
__scs_overlays_trampoline_lowered:
0x8: {  	[smem:$0x3FA7] =	sst s0  }
0x9: {  	[smem:$0x3FA8] =	sst s1  }
0xa: {  	[smem:$0x3FA9] =	sst s2  }
0xb: {  	[smem:$0x3FAA] =	sst s3  }
0xc: {  	[smem:$0x3FAB] =	sst s4  }
0xd: {  	[smem:$0x3FAC] =	sst s5  }
0xe: {  	[smem:$0x3FAD] =	sst s6  }
0xf: {  	[smem:$0x3FAE] =	sst s7  }
0x10: {  	[smem:$0x3FAF] =	sst s8  }
0x11: {  	[smem:$0x3FB0] =	sst s9;
	s0 =	simm.s32 @!p0 $0x0  }
0x12: {  	s1 =	sld [smem:$0x3F96];
	s0 =	simm.s32 @p0 $0x1  }
0x13: {  	[smem:$0x3FB1] =	sst s0;
	s0 =	simm.s32 @!p1 $0x0  }
0x14: {  	s2 =	sld [smem:$0x3F95];
	s0 =	simm.s32 @p1 $0x1  }
0x15: {  	[smem:$0x3FB2] =	sst s0;
	s0 =	simm.s32 @!p2 $0x0  }
0x16: {  	s3 =	sld [smem:$0x3FDB];
	s0 =	simm.s32 @p2 $0x1  }
0x17: {  	s4 =	simm.s32 $0x1BF5;
	[smem:$0x3FB4] =	sst s0  }
0x18: {  	s0 =	sld [smem:$0x3F97];
	_ =	swait.ge [sflag:s4], $0x0  }
0x19: {  	s7 =	sld [smem:$0x3F98]  }
0x1a: {  	s8 =	sadd.s32 $0xFFFFE003, lr  }
0x1b: {  	s9 =	sadd.s32 $0xFFFFFEF7, lr;
	s5 =	simm.s32 $0xFFFFFFFF;
	p2 =	slt.u32 s8, $0xFFFFF086  }
0x1c: {  	p1 =	slt.u32 s9, $0xF7A;
	s5 =	simm.s32 @!p2 $0x0  }
0x1d: {  	s5 =	simm.s32 @p1 $0x1;
	p0 =	seq.s32 s7, s2  }
0x1e: {  	s7 =	smul.u32 @!p0 $0xF7A, s2;
	p2 =	seq.s32 @!p0 s5, $0x0  }
0x1f: {  	s9 =	smul.u32 $0xF7A, s1;
	s8 =	simm.s32 @!p0 $0x1BF5;
	p2 =	por !p2, p0  }
0x20: {  	[sflag:s8] =	ssyncset.s32 @!p0 $0xFFFFF086;
	s6 =	sadd.s32 @!p0 s3, s7;
	s7 =	simm.s32 @!p0 $0x108  }
0x21: {  	s3 =	sadd.s32 s3, s9;
	s6 =	sadd.s32 @!p0 $0x88, s6;
	s7 =	simm.s32 @p2 $0x1082  }
0x22: {  	[simem:s7], [sflag:s8] =	dma.local @!p0 [hbm:s6], $0xF7A  }
0x23: {  	s9 =	sor.u32 $0xD0000000, s2;
	s6 =	simm.s32 $0x108;
	_ =	swait.ge @!p0 [sflag:s8], $0x0  }
0x24: {  	s3 =	sadd.s32 $0x88, s3;
	s6 =	simm.s32 @!p1 $0x1082;
	[sflag:s4] =	ssyncset.s32 $0xFFFFF086  }
0x25: {  	[simem:s6], [sflag:s4] =	dma.local [hbm:s3], $0xF7A  }
0x26: {  	[smem:$0x3F98] =	sst s1;
	(tag) =	ssettag s2;
	_ =	strace s9  }
0x27: {  	s1 =	sld [smem:$0x3FA8]  }
0x28: {  	s2 =	sld [smem:$0x3FA9]  }
0x29: {  	s4 =	sld [smem:$0x3FAB]  }
0x2a: {  	p0 =	seq.s32 s5, $0x0;
	s5 =	sld [smem:$0x3FAC]  }
0x2b: {  	s6 =	sld [smem:$0x3FAD]  }
0x2c: {  	s7 =	sld [smem:$0x3FAE]  }
0x2d: {  	s3 =	simm.s32 $0x108;
	s8 =	sld [smem:$0x3FAF]  }
0x2e: {  	s3 =	simm.s32 @!p0 $0x1082;
	s9 =	sld [smem:$0x3FB0]  }
0x2f: {  	lr =	sadd.s32 s0, s3;
	s0 =	sld [smem:$0x3FA7]  }
0x30: {  	s3 =	sld [smem:$0x3FAA]  }
0x31: {  	[smem:$0x3FB3] =	sst s10  }
0x32: {  	s10 =	sld [smem:$0x3FB1];
	_ =	sdelay $0x3  }
0x33: {  	p0 =	seq.s32 s10, $0x1;
	s10 =	sld [smem:$0x3FB3];
	_ =	sdelay $0x3  }
0x34: {  	[smem:$0x3FB3] =	sst s10  }
0x35: {  	s10 =	sld [smem:$0x3FB2];
	_ =	sdelay $0x3  }
0x36: {  	p1 =	seq.s32 s10, $0x1;
	s10 =	sld [smem:$0x3FB3];
	_ =	sdelay $0x3  }
0x37: {  	[smem:$0x3FB3] =	sst s10  }
0x38: {  	s10 =	sld [smem:$0x3FB4]  }
0x39: {  	_ = 	snop;
	(pc) =	sbr.ind lr, $3  }
0x3a: {  	_ = 	snop  }
0x3b: {  	_ = 	snop  }
0x3c: {  	p2 =	seq.s32 s10, $0x1;
	s10 =	sld [smem:$0x3FB3]  }
0x3d: {  	_ =	shalt  }
0x3e: {  	_ =	shalt  }
0x3f: {  	_ =	shalt  }
0x40: {  	_ =	shalt  }
0x41: {  	_ =	shalt  }
0x42: {  	_ =	shalt  }
0x43: {  	_ =	shalt  }
0x44: {  	_ =	shalt  }
0x45: {  	_ =	shalt  }
0x46: {  	_ =	shalt  }
0x47: {  	_ =	shalt  }
0x48: {  	_ =	shalt  }
0x49: {  	_ =	shalt  }
0x4a: {  	_ =	shalt  }
0x4b: {  	_ =	shalt  }
0x4c: {  	_ =	shalt  }
0x4d: {  	_ =	shalt  }
0x4e: {  	_ =	shalt  }
0x4f: {  	_ =	shalt  }
0x50: {  	_ =	shalt  }
0x51: {  	_ =	shalt  }
0x52: {  	_ =	shalt  }
0x53: {  	_ =	shalt  }
0x54: {  	_ =	shalt  }
0x55: {  	_ =	shalt  }
0x56: {  	_ =	shalt  }
0x57: {  	_ =	shalt  }
0x58: {  	_ =	shalt  }
0x59: {  	_ =	shalt  }
0x5a: {  	_ =	shalt  }
0x5b: {  	_ =	shalt  }
0x5c: {  	_ =	shalt  }
0x5d: {  	_ =	shalt  }
0x5e: {  	_ =	shalt  }
0x5f: {  	_ =	shalt  }
0x60: {  	_ =	shalt  }
0x61: {  	_ =	shalt  }
0x62: {  	_ =	shalt  }
0x63: {  	_ =	shalt  }
0x64: {  	_ =	shalt  }
0x65: {  	_ =	shalt  }
0x66: {  	_ =	shalt  }
0x67: {  	_ =	shalt  }
0x68: {  	_ =	shalt  }
0x69: {  	_ =	shalt  }
0x6a: {  	_ =	shalt  }
0x6b: {  	_ =	shalt  }
0x6c: {  	_ =	shalt  }
0x6d: {  	_ =	shalt  }
0x6e: {  	_ =	shalt  }
0x6f: {  	_ =	shalt  }
0x70: {  	_ =	shalt  }
0x71: {  	_ =	shalt  }
0x72: {  	_ =	shalt  }
0x73: {  	_ =	shalt  }
0x74: {  	_ =	shalt  }
0x75: {  	_ =	shalt  }
0x76: {  	_ =	shalt  }
0x77: {  	_ =	shalt  }
0x78: {  	_ =	shalt  }
0x79: {  	_ =	shalt  }
0x7a: {  	_ =	shalt  }
0x7b: {  	_ =	shalt  }
0x7c: {  	_ =	shalt  }
0x7d: {  	_ =	shalt  }
0x7e: {  	_ =	shalt  }
0x7f: {  	_ =	shalt  }
0x80: {  	_ =	shalt  }
0x81: {  	_ =	shalt  }
0x82: {  	_ =	shalt  }
0x83: {  	_ =	shalt  }
0x84: {  	_ =	shalt  }
0x85: {  	_ =	shalt  }
0x86: {  	_ =	shalt  }
0x87: {  	_ =	shalt  }
.Lfunc_end0:
.L_simem_size_0:
called_computation.2_lowered:
.L_overlay_start_0:
0x88: {  	s2 =	sld [smem:$0x3FD9]  }
0x89: {  	s3 =	sld [smem:$0x3FFE];
	_ =	sdelay $0x1  }
0x8a: {  	s1 =	srdreg.scid  }
0x8b: {  	s0 =	sand.u32 $0x1, s1  }
0x8c: {  	s14 =	sshll.u32 s0, $0xA;
	s2 =	sadd.s32 s3, s2  }
0x8d: {  	s2 =	sadd.s32 s2, s14  }
0x8e: {  	[smem:$0x3FBF] =	sst s2  }
0x8f: {  	_ = 	snop  }
0x90: {  	s2 =	sld [smem:$0x3FD0];
	_ =	sdelay $0x2  }
0x91: {  	s4 =	simm.s32 $0xB;
	s5 =	simm.s32 $0x10;
	s15 =	sld [smem:$0x3FC9]  }
0x92: {  	[smem:s5], [sflag:s4] =	dma.local [hbm:s2], $0x1  }
0x93: {  	_ =	swait.eq [sflag:s4], $0x1  }
0x94: {  	[sflag:s4] =	ssyncset.done $0x0  }
0x95: {  	[sflag:s4] =	ssyncadd.s32 $0xFFFFFFFF  }
0x96: {  	s16 =	sld [smem:$0x11];
	(tm) =	ssettm $0x1  }
0x97: {  	s17 =	sld [smem:$0x3FFB];
	_ =	sdelay $0x3  }
0x98: {  	_ =	strace s17  }
0x99: {  	s4 =	sld [smem:$0x3FFC];
	_ =	sdelay $0x3  }
0x9a: {  	_ =	strace s4  }
0x9b: {  	s4 =	sld [smem:$0x3FFD];
	_ =	sdelay $0x3  }
0x9c: {  	_ =	strace s4  }
0x9d: {  	_ =	strace $0x8FFFFFFF  }
0x9e: {  	s18 =	sld [smem:$0x3FDB];
	_ =	sdelay $0x1  }
0x9f: {  	s19 =	simm.s32 $_scs_section_size  }
0xa0: {  	s6 =	simm.s32 $_size__tile_overlayer_lowered;
	s7 =	simm.s32 $_tile_overlayer_lowered  }
0xa1: {  	s22 =	simm.s32 $0x1BFF;
	s21 =	sshll.u32 s7, $0x1;
	s4 =	sadd.s32 s19, s18  }
0xa2: {  	s8 =	simm.s32 $0x0;
	s20 =	sshll.u32 s6, $0x1;
	s6 =	sadd.s32 s21, s4  }
0xa3: {  	[timem:s8], [sflag:s22] =	dma.local [hbm:s6], s20  }
0xa4: {  	_ =	swait.ge [sflag:s22], s20  }
0xa5: {  	s5 =	ssub.s32 $0x0, s20;
	[sflag:s22] =	ssyncset.done $0x0  }
0xa6: {  	[sflag:s22] =	ssyncadd.s32 s5;
	_ =	sdelay $0x1  }
0xa7: {  	s23 =	simm.s32 $0x1B8B  }
0xa8: {  	_ =	swait.ge [sflag:s23], $0x1  }
0xa9: {  	[sflag:s23] =	ssyncset.done $0x0  }
0xaa: {  	s25 =	simm.s32 $0x1B8E;
	s24 =	sld [smem:$0x3FFE];
	[sflag:s23] =	ssyncadd.s32 $0xFFFFFFFF  }
0xab: {  	s26 =	simm.s32 $execute0_lowered;
	[smem:$0x3FD2] =	sst s25  }
0xac: {  	s6 =	sshll.u32 s26, $0x1;
	_ =	strace $0x80000046;
	[dreg:$0x1] =	wrdreg $0xFFFFFFFF  }
0xad: {  	s28 =	simm.s32 $_size_execute0_lowered;
	s4 =	sadd.s32 s4, s6;
	[dreg:$0x0] =	wrdreg $0x0  }
0xae: {  	s6 =	sshll.u32 s28, $0x1;
	[dreg:$0x2] =	wrdreg s4  }
0xaf: {  	[dreg:$0x3] =	wrdreg s6  }
0xb0: {  	[dreg:$0x4] =	wrdreg $0xC0  }
0xb1: {  	_ =	task [dreg:s8], $0x5FFFF  }
0xb2: {  	[dreg:$0x1] =	wrdreg $0xFFFFFFFF  }
0xb3: {  	[dreg:$0x0] =	wrdreg $0x60  }
0xb4: {  	[dreg:$0x2] =	wrdreg s15  }
0xb5: {  	[dreg:$0x3] =	wrdreg s16  }
0xb6: {  	[dreg:$0x4] =	wrdreg s24  }
0xb7: {  	[dreg:$0x5] =	wrdreg $0x9  }
0xb8: {  	_ =	task.clear_ibuf [dreg:s8], $0x6FFFF;
	_ =	strace $0x90000046  }
0xb9: {  	s29 =	simm.s32 $0x9;
	_ =	strace $0x80000048  }
0xba: {  	_ =	swait.ge [sflag:s29], $0x1  }
0xbb: {  	[sflag:s29] =	ssyncadd.s32 $0xFFFFFFFF  }
0xbc: {  	_ =	strace $0x90000048  }
0xbd: {  	_ =	sfence  }
0xbe: {  	s30 =	sld [smem:$0x0];
	_ =	sdelay $0x2  }
0xbf: {  	s31 =	sshll.u32 s1, $0xD;
	s1 =	sshrl.u32 s1, $0x2  }
0xc0: {  	s3 =	sand.u32 $0x4000, s31;
	s1 =	sadd.s32 s1, s30  }
0xc1: {  	s0 =	sor.u32 s3, s0;
	s1 =	sshll.u32 s1, $0x11  }
0xc2: {  	s0 =	sor.u32 s1, s0  }
0xc3: {  	s0 =	sadd.s32 $0x8F2B, s0  }
0xc4: {  	[sflag:s0] =	ssyncadd.remote.s32 $0x1  }
0xc5: {  	_ =	sfence.sel $0xFFFF  }
0xc6: {  	[dreg:$0x0] =	wrdreg $0xFFFFFFFF;
	(pc) =	sbr.abs _section_cstart, $3  }
0xc7: {  	[dreg:$0x1] =	wrdreg $0xFFFFFFFF  }
0xc8: {  	_ =	task.clear_ibuf [dreg:s8], $0x2FFFF;
	_ =	strace $0x9FFFFFFF  }
0xc9: {  	(tm) =	ssettm $0x7FFFFFFF  }
tec
execute0_lowered:
.L_overlay_start_1:
0x0: {  	(tag) =	ssettag $0x1  }
0x1: {  	s0 =	srdreg.scid;
	s1 =	rddreg [dreg:$0x0]  }
0x2: {  	s10 =	stileid.u32;
	s4 =	rddreg [dreg:$0x1]  }
0x3: {  	s7 =	rddreg [dreg:$0x2];
	s5 =	simm.s32 $0x1;
	s15 =	simm.s32 $0x2  }
0x4: {  	s28 =	simm.s32 $0x6100;
	s29 =	simm.s32 $0x6900;
	s30 =	simm.s32 $0x7100  }
0x5: {  	s31 =	simm.s32 $0x7900;
	s12 =	simm.s32 $0x9900;
	s14 =	simm.s32 $0xA100  }
0x6: {  	s0 =	sand.u32 $0x1, s0;
	s3 =	sadd.s32 $0x22000, s7;
	s16 =	smul.u32 $0x6000, s10  }
0x7: {  	s8 =	sshll.u32 s10, $0x7;
	s18 =	smul.u32 $0x30000, s10;
	s2 =	sor.u32 s0, s10  }
0x8: {  	p1 =	seq.s32 s0, $0x1;
	s6 =	ssub.s32 $0x2, s0;
	s0 =	sshll.u32 s0, $0x6  }
0x9: {  	p0 =	seq.s32 s2, $0x0;
	s2 =	simm.s32 $0x0;
	s9 =	sshrl.u32 s6, $0x1  }
0xa: {  	s0 =	sor.u32 s0, s8;
	s20 =	sadd.s32 s16, s1;
	p0 =	por !p0, !p1  }
0xb: {  	[smem:$0x7FF] =	sst s2;
	s11 =	sadd.s32 s4, s0;
	s21 =	sadd.s32 $0x1800, s20  }
0xc: {  	s4 =	sshrl.u32 s18, $0x3;
	s23 =	ssub.s32 s6, s9;
	s6 =	sadd.s32 $0x22100, s7  }
0xd: {  	s7 =	sadd.s32 $0x22200, s7;
	s9 =	simm.s32 $0x3;
	s18 =	simm.s32 $0x1100  }
0xe: {  	s20 =	simm.s32 $0x2100;
	p0 =	por !p0, !p0;
	_ =	strace $0x80000047  }
0xf: {  	s19 =	sadd.s32 $0x10, s11;
	[dreg:$0x6] =	wrdreg s21;
	s22 =	sadd.s32 $0x20, s11  }
0x10: {  	[dreg:$0xb] =	wrdreg s11;
	s25 =	sadd.s32 $0x30, s11;
	s8 =	smax.u32 s23, $0x1  }
0x11: {  	s21 =	simm.s32 $0x2900;
	s5 =	simm.s32 @!p0 $0x0;
	[dreg:$0x5] =	wrdreg s19  }
0x12: {  	s23 =	simm.s32 $0x3900;
	[dreg:$0x7] =	wrdreg s22;
	s5 =	ssub.s32 s10, s5  }
0x13: {  	s11 =	simm.s32 $0x9100;
	[dreg:$0x9] =	wrdreg s25;
	s5 =	smul.u32 $0x6000, s5  }
0x14: {  	s19 =	simm.s32 $0x1900;
	s22 =	simm.s32 $0x3100;
	s25 =	simm.s32 $0x5100  }
0x15: {  	s10 =	simm.s32 $0xA900;
	s17 =	sadd.s32 s1, s5;
	s1 =	sadd.s32 s1, s4  }
0x16: {  	v2 =	vlaneseq.u32;
	s5 =	simm.s32 $0xB100;
	[dreg:$0x4] =	wrdreg s17;
	s24 =	sadd.s32 $0x3000, s1  }
0x17: {  	vm0 =	vmmov $0xffff;
	v1 =	vshrl.u32 v2, $0x3;
	s26 =	sadd.s32 $0x4800, s1;
	s17 =	simm.s32 $0x900;
	[dreg:$0x8] =	wrdreg s24  }
0x18: {  	v0 =	vand.u32 $0x7, v2;
	v2 =	vor.u32 $0x8, v2;
	v1 =	vmul.u32 $0x8, v1;
	[dreg:$0xa] =	wrdreg s26;
	s24 =	simm.s32 $0x4100;
	s26 =	simm.s32 $0x5900  }
.LBB2_1:
0x19: {  	s16 =	rddreg [dreg:$0xb]  }
0x1a: {  	[tilespmem:s2], [sflag:$0x3] =	stream.linear.gather [hbm4b:s16+s2], $0x80, $0x38;
	[tilespmem:$0x18100] =	vst v63  }
0x1b: {  	_ =	swait.ge [sflag:s9], $0x80  }
0x1c: {  	[sflag:s9] =	ssyncset.done $0x0  }
0x1d: {  	s13 =	simm.s32 $0x100;
	s1 =	rddreg [dreg:$0x4];
	[sflag:s9] =	ssyncadd.s32 $0xFFFFFF80  }
0x1e: {  	[tilespmem:s13], [sflag:$0x3] =	stream.linear.gather [hbm4b:s1+s2], $0xC000, $0x38;
	[tilespmem:$0x18100] =	vst v63  }
0x1f: {  	_ =	swait.ge [sflag:s9], $0xC000  }
0x20: {  	[sflag:s9] =	ssyncset.done $0x0  }
0x21: {  	[sflag:s9] =	ssyncadd.s32 $0xFFFF4000  }
0x22: {  	v3 =	vld [tilespmem:$0x0];
	_ =	sdelay $0x4  }
0x23: {  	v4 =	vshrl.u32 v3, $0x3  }
0x24: {  	v4 =	vmul.u32 $0x30, v4  }
0x25: {  	v3 =	vand.u32 $0x7, v3  }
0x26: {  	v3 =	vor.u32 v3, v4  }
0x27: {  	v4 =	vperm.xlane v3, v0;
	_ =	sdelay $0x1  }
0x28: {  	v4 =	vadd.s32 v1, v4;
	_ =	sdelay $0x3  }
0x29: {  	v3 =	vperm.xlane v3, v2  }
0x2a: {  	[hbm4b:s3+s2] =	stream.indirect_vreg.scatter [tilespmem:s13], [sflag:$0x1], $0x80, v4, vm0, $0xb8;
	[tilespmem:$0x18100] =	vst v63  }
0x2b: {  	v3 =	vadd.s32 v1, v3  }
0x2c: {  	[hbm4b:s6+s2] =	stream.indirect_vreg.scatter [tilespmem:s17], [sflag:$0x1], $0x80, v4, vm0, $0xb8;
	[tilespmem:$0x18100] =	vst v63  }
0x2d: {  	_ = 	snop  }
0x2e: {  	[hbm4b:s7+s2] =	stream.indirect_vreg.scatter [tilespmem:s18], [sflag:$0x1], $0x80, v4, vm0, $0xb8;
	[tilespmem:$0x18100] =	vst v63  }
0x2f: {  	_ = 	snop  }
0x30: {  	[hbm4b:s3+s2] =	stream.indirect_vreg.scatter [tilespmem:s19], [sflag:$0x1], $0x80, v3, vm0, $0xb8;
	[tilespmem:$0x18100] =	vst v63  }
0x31: {  	_ = 	snop  }
0x32: {  	[hbm4b:s6+s2] =	stream.indirect_vreg.scatter [tilespmem:s20], [sflag:$0x1], $0x80, v3, vm0, $0xb8;
	[tilespmem:$0x18100] =	vst v63  }
0x33: {  	_ = 	snop  }
0x34: {  	[hbm4b:s7+s2] =	stream.indirect_vreg.scatter [tilespmem:s21], [sflag:$0x1], $0x80, v3, vm0, $0xb8;
	[tilespmem:$0x18100] =	vst v63  }
0x35: {  	v3 =	vld [tilespmem:$0x10];
	_ =	sdelay $0x4  }
0x36: {  	v49 =	vshrl.u32 v3, $0x3  }
0x37: {  	v4 =	vmul.u32 $0x30, v49  }
0x38: {  	v3 =	vand.u32 $0x7, v3  }
0x39: {  	v3 =	vor.u32 v3, v4  }
0x3a: {  	v4 =	vperm.xlane v3, v0;
	_ =	sdelay $0x1  }
0x3b: {  	v4 =	vadd.s32 v1, v4;
	_ =	sdelay $0x3  }
0x3c: {  	v3 =	vperm.xlane v3, v2  }
0x3d: {  	[hbm4b:s3+s2] =	stream.indirect_vreg.scatter [tilespmem:s22], [sflag:$0x1], $0x80, v4, vm0, $0xb8;
	[tilespmem:$0x18100] =	vst v63  }
0x3e: {  	v3 =	vadd.s32 v1, v3  }
0x3f: {  	[hbm4b:s6+s2] =	stream.indirect_vreg.scatter [tilespmem:s23], [sflag:$0x1], $0x80, v4, vm0, $0xb8;
	[tilespmem:$0x18100] =	vst v63  }
0x40: {  	_ = 	snop  }
0x41: {  	[hbm4b:s7+s2] =	stream.indirect_vreg.scatter [tilespmem:s24], [sflag:$0x1], $0x80, v4, vm0, $0xb8;
	[tilespmem:$0x18100] =	vst v63  }
0x42: {  	s0 =	simm.s32 $0x4900  }
0x43: {  	[hbm4b:s3+s2] =	stream.indirect_vreg.scatter [tilespmem:s0], [sflag:$0x1], $0x80, v3, vm0, $0xb8;
	[tilespmem:$0x18100] =	vst v63  }
0x44: {  	_ = 	snop  }
0x45: {  	[hbm4b:s6+s2] =	stream.indirect_vreg.scatter [tilespmem:s25], [sflag:$0x1], $0x80, v3, vm0, $0xb8;
	[tilespmem:$0x18100] =	vst v63  }
0x46: {  	_ = 	snop  }
0x47: {  	[hbm4b:s7+s2] =	stream.indirect_vreg.scatter [tilespmem:s26], [sflag:$0x1], $0x80, v3, vm0, $0xb8;
	[tilespmem:$0x18100] =	vst v63  }
0x48: {  	v3 =	vld [tilespmem:$0x20];
	_ =	sdelay $0x4  }
0x49: {  	v50 =	vshrl.u32 v3, $0x3  }
0x4a: {  	v4 =	vmul.u32 $0x30, v50  }
0x4b: {  	v3 =	vand.u32 $0x7, v3  }
0x4c: {  	v3 =	vor.u32 v3, v4  }
0x4d: {  	v4 =	vperm.xlane v3, v0;
	_ =	sdelay $0x1  }
0x4e: {  	v4 =	vadd.s32 v1, v4;
	_ =	sdelay $0x3  }
0x4f: {  	v3 =	vperm.xlane v3, v2  }
0x50: {  	[hbm4b:s3+s2] =	stream.indirect_vreg.scatter [tilespmem:s28], [sflag:$0x1], $0x80, v4, vm0, $0xb8;
	[tilespmem:$0x18100] =	vst v63  }
0x51: {  	v3 =	vadd.s32 v1, v3  }
0x52: {  	[hbm4b:s6+s2] =	stream.indirect_vreg.scatter [tilespmem:s29], [sflag:$0x1], $0x80, v4, vm0, $0xb8;
	[tilespmem:$0x18100] =	vst v63  }
0x53: {  	_ = 	snop  }
0x54: {  	[hbm4b:s7+s2] =	stream.indirect_vreg.scatter [tilespmem:s30], [sflag:$0x1], $0x80, v4, vm0, $0xb8;
	[tilespmem:$0x18100] =	vst v63  }
0x55: {  	_ = 	snop  }
0x56: {  	[hbm4b:s3+s2] =	stream.indirect_vreg.scatter [tilespmem:s31], [sflag:$0x1], $0x80, v3, vm0, $0xb8;
	[tilespmem:$0x18100] =	vst v63  }
0x57: {  	s4 =	simm.s32 $0x8100  }
0x58: {  	[hbm4b:s6+s2] =	stream.indirect_vreg.scatter [tilespmem:s4], [sflag:$0x1], $0x80, v3, vm0, $0xb8;
	[tilespmem:$0x18100] =	vst v63  }
0x59: {  	s16 =	simm.s32 $0x8900  }
0x5a: {  	[hbm4b:s7+s2] =	stream.indirect_vreg.scatter [tilespmem:s16], [sflag:$0x1], $0x80, v3, vm0, $0xb8;
	[tilespmem:$0x18100] =	vst v63  }
0x5b: {  	v3 =	vld [tilespmem:$0x30];
	_ =	sdelay $0x4  }
0x5c: {  	v51 =	vshrl.u32 v3, $0x3  }
0x5d: {  	v4 =	vmul.u32 $0x30, v51  }
0x5e: {  	v3 =	vand.u32 $0x7, v3  }
0x5f: {  	v3 =	vor.u32 v3, v4  }
0x60: {  	v4 =	vperm.xlane v3, v0;
	_ =	sdelay $0x1  }
0x61: {  	v4 =	vadd.s32 v1, v4;
	_ =	sdelay $0x3  }
0x62: {  	v3 =	vperm.xlane v3, v2  }
0x63: {  	[hbm4b:s3+s2] =	stream.indirect_vreg.scatter [tilespmem:s11], [sflag:$0x1], $0x80, v4, vm0, $0xb8;
	[tilespmem:$0x18100] =	vst v63  }
0x64: {  	v3 =	vadd.s32 v1, v3  }
0x65: {  	[hbm4b:s6+s2] =	stream.indirect_vreg.scatter [tilespmem:s12], [sflag:$0x1], $0x80, v4, vm0, $0xb8;
	[tilespmem:$0x18100] =	vst v63  }
0x66: {  	_ = 	snop  }
0x67: {  	[hbm4b:s7+s2] =	stream.indirect_vreg.scatter [tilespmem:s14], [sflag:$0x1], $0x80, v4, vm0, $0xb8;
	[tilespmem:$0x18100] =	vst v63  }
0x68: {  	_ = 	snop  }
0x69: {  	[hbm4b:s3+s2] =	stream.indirect_vreg.scatter [tilespmem:s10], [sflag:$0x1], $0x80, v3, vm0, $0xb8;
	[tilespmem:$0x18100] =	vst v63  }
0x6a: {  	_ = 	snop  }
0x6b: {  	[hbm4b:s6+s2] =	stream.indirect_vreg.scatter [tilespmem:s5], [sflag:$0x1], $0x80, v3, vm0, $0xb8;
	[tilespmem:$0x18100] =	vst v63  }
0x6c: {  	s4 =	simm.s32 $0xB900  }
0x6d: {  	[hbm4b:s7+s2] =	stream.indirect_vreg.scatter [tilespmem:s4], [sflag:$0x1], $0x80, v3, vm0, $0xb8;
	[tilespmem:$0x18100] =	vst v63  }
0x6e: {  	s1 =	simm.s32 $0x80;
	s0 =	rddreg [dreg:$0x5]  }
0x6f: {  	[tilespmem:s1], [sflag:$0x3] =	stream.linear.gather [hbm4b:s0+s2], $0x80, $0x38;
	[tilespmem:$0x18100] =	vst v63  }
0x70: {  	_ =	swait.ge [sflag:s9], $0x80  }
0x71: {  	[sflag:s9] =	ssyncset.done $0x0  }
0x72: {  	s1 =	simm.s32 $0xC100;
	s0 =	rddreg [dreg:$0x6];
	[sflag:s9] =	ssyncadd.s32 $0xFFFFFF80  }
0x73: {  	[tilespmem:s1], [sflag:$0x3] =	stream.linear.gather [hbm4b:s0+s2], $0xC000, $0x38;
	[tilespmem:$0x18100] =	vst v63  }
0x74: {  	_ =	swait.ge [sflag:s9], $0xC000  }
0x75: {  	[sflag:s9] =	ssyncset.done $0x0  }
0x76: {  	[sflag:s9] =	ssyncadd.s32 $0xFFFF4000  }
0x77: {  	v3 =	vld [tilespmem:$0x80];
	_ =	sdelay $0x4  }
0x78: {  	v52 =	vshrl.u32 v3, $0x3  }
0x79: {  	v4 =	vmul.u32 $0x30, v52  }
0x7a: {  	v3 =	vand.u32 $0x7, v3  }
0x7b: {  	v3 =	vor.u32 v3, v4  }
0x7c: {  	v4 =	vperm.xlane v3, v0;
	_ =	sdelay $0x1  }
0x7d: {  	v4 =	vadd.s32 v1, v4;
	_ =	sdelay $0x3  }
0x7e: {  	v3 =	vperm.xlane v3, v2  }
0x7f: {  	[hbm4b:s3+s2] =	stream.indirect_vreg.scatter [tilespmem:s1], [sflag:$0x2], $0x80, v4, vm0, $0xb8;
	[tilespmem:$0x18100] =	vst v63  }
0x80: {  	s16 =	simm.s32 $0xC900;
	v3 =	vadd.s32 v1, v3  }
0x81: {  	[hbm4b:s6+s2] =	stream.indirect_vreg.scatter [tilespmem:s16], [sflag:$0x2], $0x80, v4, vm0, $0xb8;
	[tilespmem:$0x18100] =	vst v63  }
0x82: {  	s16 =	simm.s32 $0xD100  }
0x83: {  	[hbm4b:s7+s2] =	stream.indirect_vreg.scatter [tilespmem:s16], [sflag:$0x2], $0x80, v4, vm0, $0xb8;
	[tilespmem:$0x18100] =	vst v63  }
0x84: {  	s16 =	simm.s32 $0xD900  }
0x85: {  	[hbm4b:s3+s2] =	stream.indirect_vreg.scatter [tilespmem:s16], [sflag:$0x2], $0x80, v3, vm0, $0xb8;
	[tilespmem:$0x18100] =	vst v63  }
0x86: {  	s16 =	simm.s32 $0xE100  }
0x87: {  	[hbm4b:s6+s2] =	stream.indirect_vreg.scatter [tilespmem:s16], [sflag:$0x2], $0x80, v3, vm0, $0xb8;
	[tilespmem:$0x18100] =	vst v63  }
0x88: {  	s16 =	simm.s32 $0xE900  }
0x89: {  	[hbm4b:s7+s2] =	stream.indirect_vreg.scatter [tilespmem:s16], [sflag:$0x2], $0x80, v3, vm0, $0xb8;
	[tilespmem:$0x18100] =	vst v63  }
0x8a: {  	v3 =	vld [tilespmem:$0x90];
	_ =	sdelay $0x4  }
0x8b: {  	v53 =	vshrl.u32 v3, $0x3  }
0x8c: {  	v4 =	vmul.u32 $0x30, v53  }
0x8d: {  	v3 =	vand.u32 $0x7, v3  }
0x8e: {  	v3 =	vor.u32 v3, v4  }
0x8f: {  	v4 =	vperm.xlane v3, v0;
	_ =	sdelay $0x1  }
0x90: {  	v4 =	vadd.s32 v1, v4;
	_ =	sdelay $0x3  }
0x91: {  	s16 =	simm.s32 $0xF100;
	v3 =	vperm.xlane v3, v2  }
0x92: {  	[hbm4b:s3+s2] =	stream.indirect_vreg.scatter [tilespmem:s16], [sflag:$0x2], $0x80, v4, vm0, $0xb8;
	[tilespmem:$0x18100] =	vst v63  }
0x93: {  	v3 =	vadd.s32 v1, v3;
	s16 =	simm.s32 $0xF900  }
0x94: {  	[hbm4b:s6+s2] =	stream.indirect_vreg.scatter [tilespmem:s16], [sflag:$0x2], $0x80, v4, vm0, $0xb8;
	[tilespmem:$0x18100] =	vst v63  }
0x95: {  	s16 =	simm.s32 $0x10100  }
0x96: {  	[hbm4b:s7+s2] =	stream.indirect_vreg.scatter [tilespmem:s16], [sflag:$0x2], $0x80, v4, vm0, $0xb8;
	[tilespmem:$0x18100] =	vst v63  }
0x97: {  	s16 =	simm.s32 $0x10900  }
0x98: {  	[hbm4b:s3+s2] =	stream.indirect_vreg.scatter [tilespmem:s16], [sflag:$0x2], $0x80, v3, vm0, $0xb8;
	[tilespmem:$0x18100] =	vst v63  }
0x99: {  	s16 =	simm.s32 $0x11100  }
0x9a: {  	[hbm4b:s6+s2] =	stream.indirect_vreg.scatter [tilespmem:s16], [sflag:$0x2], $0x80, v3, vm0, $0xb8;
	[tilespmem:$0x18100] =	vst v63  }
0x9b: {  	s16 =	simm.s32 $0x11900  }
0x9c: {  	[hbm4b:s7+s2] =	stream.indirect_vreg.scatter [tilespmem:s16], [sflag:$0x2], $0x80, v3, vm0, $0xb8;
	[tilespmem:$0x18100] =	vst v63  }
0x9d: {  	v3 =	vld [tilespmem:$0xA0];
	_ =	sdelay $0x4  }
0x9e: {  	v54 =	vshrl.u32 v3, $0x3  }
0x9f: {  	v4 =	vmul.u32 $0x30, v54  }
0xa0: {  	v3 =	vand.u32 $0x7, v3  }
0xa1: {  	v3 =	vor.u32 v3, v4  }
0xa2: {  	v4 =	vperm.xlane v3, v0;
	_ =	sdelay $0x1  }
0xa3: {  	v4 =	vadd.s32 v1, v4;
	_ =	sdelay $0x3  }
0xa4: {  	s16 =	simm.s32 $0x12100;
	v3 =	vperm.xlane v3, v2  }
0xa5: {  	[hbm4b:s3+s2] =	stream.indirect_vreg.scatter [tilespmem:s16], [sflag:$0x2], $0x80, v4, vm0, $0xb8;
	[tilespmem:$0x18100] =	vst v63  }
0xa6: {  	v3 =	vadd.s32 v1, v3;
	s16 =	simm.s32 $0x12900  }
0xa7: {  	[hbm4b:s6+s2] =	stream.indirect_vreg.scatter [tilespmem:s16], [sflag:$0x2], $0x80, v4, vm0, $0xb8;
	[tilespmem:$0x18100] =	vst v63  }
0xa8: {  	s16 =	simm.s32 $0x13100  }
0xa9: {  	[hbm4b:s7+s2] =	stream.indirect_vreg.scatter [tilespmem:s16], [sflag:$0x2], $0x80, v4, vm0, $0xb8;
	[tilespmem:$0x18100] =	vst v63  }
0xaa: {  	s16 =	simm.s32 $0x13900  }
0xab: {  	[hbm4b:s3+s2] =	stream.indirect_vreg.scatter [tilespmem:s16], [sflag:$0x2], $0x80, v3, vm0, $0xb8;
	[tilespmem:$0x18100] =	vst v63  }
0xac: {  	s16 =	simm.s32 $0x14100  }
0xad: {  	[hbm4b:s6+s2] =	stream.indirect_vreg.scatter [tilespmem:s16], [sflag:$0x2], $0x80, v3, vm0, $0xb8;
	[tilespmem:$0x18100] =	vst v63  }
0xae: {  	s16 =	simm.s32 $0x14900  }
0xaf: {  	[hbm4b:s7+s2] =	stream.indirect_vreg.scatter [tilespmem:s16], [sflag:$0x2], $0x80, v3, vm0, $0xb8;
	[tilespmem:$0x18100] =	vst v63  }
0xb0: {  	v3 =	vld [tilespmem:$0xB0];
	_ =	sdelay $0x4  }
0xb1: {  	v55 =	vshrl.u32 v3, $0x3  }
0xb2: {  	v4 =	vmul.u32 $0x30, v55  }
0xb3: {  	v3 =	vand.u32 $0x7, v3  }
0xb4: {  	v3 =	vor.u32 v3, v4  }
0xb5: {  	v4 =	vperm.xlane v3, v0;
	_ =	sdelay $0x1  }
0xb6: {  	v4 =	vadd.s32 v1, v4;
	_ =	sdelay $0x3  }
0xb7: {  	s16 =	simm.s32 $0x15100;
	v3 =	vperm.xlane v3, v2  }
0xb8: {  	[hbm4b:s3+s2] =	stream.indirect_vreg.scatter [tilespmem:s16], [sflag:$0x2], $0x80, v4, vm0, $0xb8;
	[tilespmem:$0x18100] =	vst v63  }
0xb9: {  	v3 =	vadd.s32 v1, v3;
	s16 =	simm.s32 $0x15900  }
0xba: {  	[hbm4b:s6+s2] =	stream.indirect_vreg.scatter [tilespmem:s16], [sflag:$0x2], $0x80, v4, vm0, $0xb8;
	[tilespmem:$0x18100] =	vst v63  }
0xbb: {  	s16 =	simm.s32 $0x16100  }
0xbc: {  	[hbm4b:s7+s2] =	stream.indirect_vreg.scatter [tilespmem:s16], [sflag:$0x2], $0x80, v4, vm0, $0xb8;
	[tilespmem:$0x18100] =	vst v63  }
0xbd: {  	s16 =	simm.s32 $0x16900  }
0xbe: {  	[hbm4b:s3+s2] =	stream.indirect_vreg.scatter [tilespmem:s16], [sflag:$0x2], $0x80, v3, vm0, $0xb8;
	[tilespmem:$0x18100] =	vst v63  }
0xbf: {  	s16 =	simm.s32 $0x17100  }
0xc0: {  	[hbm4b:s6+s2] =	stream.indirect_vreg.scatter [tilespmem:s16], [sflag:$0x2], $0x80, v3, vm0, $0xb8;
	[tilespmem:$0x18100] =	vst v63  }
0xc1: {  	s0 =	simm.s32 $0x1;
	s16 =	simm.s32 $0x17900  }
0xc2: {  	[hbm4b:s7+s2] =	stream.indirect_vreg.scatter [tilespmem:s16], [sflag:$0x2], $0x80, v3, vm0, $0xb8;
	[tilespmem:$0x18100] =	vst v63  }
0xc3: {  	_ =	swait.ge [sflag:s0], $0xC000  }
0xc4: {  	[sflag:s0] =	ssyncset.done $0x0  }
0xc5: {  	s16 =	rddreg [dreg:$0x7];
	[sflag:s0] =	ssyncadd.s32 $0xFFFF4000  }
0xc6: {  	[tilespmem:s2], [sflag:$0x3] =	stream.linear.gather [hbm4b:s16+s2], $0x80, $0x38;
	[tilespmem:$0x18100] =	vst v63  }
0xc7: {  	_ =	swait.ge [sflag:s9], $0x80  }
0xc8: {  	[sflag:s9] =	ssyncset.done $0x0  }
0xc9: {  	s16 =	rddreg [dreg:$0x8];
	[sflag:s9] =	ssyncadd.s32 $0xFFFFFF80  }
0xca: {  	[tilespmem:s13], [sflag:$0x3] =	stream.linear.gather [hbm4b:s16+s2], $0xC000, $0x38;
	[tilespmem:$0x18100] =	vst v63  }
0xcb: {  	_ =	swait.ge [sflag:s9], $0xC000  }
0xcc: {  	[sflag:s9] =	ssyncset.done $0x0  }
0xcd: {  	[sflag:s9] =	ssyncadd.s32 $0xFFFF4000  }
0xce: {  	v3 =	vld [tilespmem:$0x0];
	_ =	sdelay $0x4  }
0xcf: {  	v56 =	vshrl.u32 v3, $0x3  }
0xd0: {  	v4 =	vmul.u32 $0x30, v56  }
0xd1: {  	v3 =	vand.u32 $0x7, v3  }
0xd2: {  	v3 =	vor.u32 v3, v4  }
0xd3: {  	v4 =	vperm.xlane v3, v0;
	_ =	sdelay $0x1  }
0xd4: {  	v4 =	vadd.s32 v1, v4;
	_ =	sdelay $0x3  }
0xd5: {  	v3 =	vperm.xlane v3, v2  }
0xd6: {  	[hbm4b:s3+s2] =	stream.indirect_vreg.scatter [tilespmem:s13], [sflag:$0x1], $0x80, v4, vm0, $0xb8;
	[tilespmem:$0x18100] =	vst v63  }
0xd7: {  	v3 =	vadd.s32 v1, v3  }
0xd8: {  	[hbm4b:s6+s2] =	stream.indirect_vreg.scatter [tilespmem:s17], [sflag:$0x1], $0x80, v4, vm0, $0xb8;
	[tilespmem:$0x18100] =	vst v63  }
0xd9: {  	_ = 	snop  }
0xda: {  	[hbm4b:s7+s2] =	stream.indirect_vreg.scatter [tilespmem:s18], [sflag:$0x1], $0x80, v4, vm0, $0xb8;
	[tilespmem:$0x18100] =	vst v63  }
0xdb: {  	_ = 	snop  }
0xdc: {  	[hbm4b:s3+s2] =	stream.indirect_vreg.scatter [tilespmem:s19], [sflag:$0x1], $0x80, v3, vm0, $0xb8;
	[tilespmem:$0x18100] =	vst v63  }
0xdd: {  	_ = 	snop  }
0xde: {  	[hbm4b:s6+s2] =	stream.indirect_vreg.scatter [tilespmem:s20], [sflag:$0x1], $0x80, v3, vm0, $0xb8;
	[tilespmem:$0x18100] =	vst v63  }
0xdf: {  	_ = 	snop  }
0xe0: {  	[hbm4b:s7+s2] =	stream.indirect_vreg.scatter [tilespmem:s21], [sflag:$0x1], $0x80, v3, vm0, $0xb8;
	[tilespmem:$0x18100] =	vst v63  }
0xe1: {  	v3 =	vld [tilespmem:$0x10];
	_ =	sdelay $0x4  }
0xe2: {  	v57 =	vshrl.u32 v3, $0x3  }
0xe3: {  	v4 =	vmul.u32 $0x30, v57  }
0xe4: {  	v3 =	vand.u32 $0x7, v3  }
0xe5: {  	v3 =	vor.u32 v3, v4  }
0xe6: {  	v4 =	vperm.xlane v3, v0;
	_ =	sdelay $0x1  }
0xe7: {  	v4 =	vadd.s32 v1, v4;
	_ =	sdelay $0x3  }
0xe8: {  	v3 =	vperm.xlane v3, v2  }
0xe9: {  	[hbm4b:s3+s2] =	stream.indirect_vreg.scatter [tilespmem:s22], [sflag:$0x1], $0x80, v4, vm0, $0xb8;
	[tilespmem:$0x18100] =	vst v63  }
0xea: {  	v3 =	vadd.s32 v1, v3  }
0xeb: {  	[hbm4b:s6+s2] =	stream.indirect_vreg.scatter [tilespmem:s23], [sflag:$0x1], $0x80, v4, vm0, $0xb8;
	[tilespmem:$0x18100] =	vst v63  }
0xec: {  	_ = 	snop  }
0xed: {  	[hbm4b:s7+s2] =	stream.indirect_vreg.scatter [tilespmem:s24], [sflag:$0x1], $0x80, v4, vm0, $0xb8;
	[tilespmem:$0x18100] =	vst v63  }
0xee: {  	s16 =	simm.s32 $0x4900  }
0xef: {  	[hbm4b:s3+s2] =	stream.indirect_vreg.scatter [tilespmem:s16], [sflag:$0x1], $0x80, v3, vm0, $0xb8;
	[tilespmem:$0x18100] =	vst v63  }
0xf0: {  	_ = 	snop  }
0xf1: {  	[hbm4b:s6+s2] =	stream.indirect_vreg.scatter [tilespmem:s25], [sflag:$0x1], $0x80, v3, vm0, $0xb8;
	[tilespmem:$0x18100] =	vst v63  }
0xf2: {  	_ = 	snop  }
0xf3: {  	[hbm4b:s7+s2] =	stream.indirect_vreg.scatter [tilespmem:s26], [sflag:$0x1], $0x80, v3, vm0, $0xb8;
	[tilespmem:$0x18100] =	vst v63  }
0xf4: {  	v3 =	vld [tilespmem:$0x20];
	_ =	sdelay $0x4  }
0xf5: {  	v58 =	vshrl.u32 v3, $0x3  }
0xf6: {  	v4 =	vmul.u32 $0x30, v58  }
0xf7: {  	v3 =	vand.u32 $0x7, v3  }
0xf8: {  	v3 =	vor.u32 v3, v4  }
0xf9: {  	v4 =	vperm.xlane v3, v0;
	_ =	sdelay $0x1  }
0xfa: {  	v4 =	vadd.s32 v1, v4;
	_ =	sdelay $0x3  }
0xfb: {  	v3 =	vperm.xlane v3, v2  }
0xfc: {  	[hbm4b:s3+s2] =	stream.indirect_vreg.scatter [tilespmem:s28], [sflag:$0x1], $0x80, v4, vm0, $0xb8;
	[tilespmem:$0x18100] =	vst v63  }
0xfd: {  	v3 =	vadd.s32 v1, v3  }
0xfe: {  	[hbm4b:s6+s2] =	stream.indirect_vreg.scatter [tilespmem:s29], [sflag:$0x1], $0x80, v4, vm0, $0xb8;
	[tilespmem:$0x18100] =	vst v63  }
0xff: {  	_ = 	snop  }
0x100: {  	[hbm4b:s7+s2] =	stream.indirect_vreg.scatter [tilespmem:s30], [sflag:$0x1], $0x80, v4, vm0, $0xb8;
	[tilespmem:$0x18100] =	vst v63  }
0x101: {  	_ = 	snop  }
0x102: {  	[hbm4b:s3+s2] =	stream.indirect_vreg.scatter [tilespmem:s31], [sflag:$0x1], $0x80, v3, vm0, $0xb8;
	[tilespmem:$0x18100] =	vst v63  }
0x103: {  	s16 =	simm.s32 $0x8100  }
0x104: {  	[hbm4b:s6+s2] =	stream.indirect_vreg.scatter [tilespmem:s16], [sflag:$0x1], $0x80, v3, vm0, $0xb8;
	[tilespmem:$0x18100] =	vst v63  }
0x105: {  	s16 =	simm.s32 $0x8900  }
0x106: {  	[hbm4b:s7+s2] =	stream.indirect_vreg.scatter [tilespmem:s16], [sflag:$0x1], $0x80, v3, vm0, $0xb8;
	[tilespmem:$0x18100] =	vst v63  }
0x107: {  	v3 =	vld [tilespmem:$0x30];
	_ =	sdelay $0x4  }
0x108: {  	v59 =	vshrl.u32 v3, $0x3  }
0x109: {  	v4 =	vmul.u32 $0x30, v59  }
0x10a: {  	v3 =	vand.u32 $0x7, v3  }
0x10b: {  	v3 =	vor.u32 v3, v4  }
0x10c: {  	v4 =	vperm.xlane v3, v0;
	_ =	sdelay $0x1  }
0x10d: {  	v4 =	vadd.s32 v1, v4;
	_ =	sdelay $0x3  }
0x10e: {  	v3 =	vperm.xlane v3, v2  }
0x10f: {  	[hbm4b:s3+s2] =	stream.indirect_vreg.scatter [tilespmem:s11], [sflag:$0x1], $0x80, v4, vm0, $0xb8;
	[tilespmem:$0x18100] =	vst v63  }
0x110: {  	v3 =	vadd.s32 v1, v3  }
0x111: {  	[hbm4b:s6+s2] =	stream.indirect_vreg.scatter [tilespmem:s12], [sflag:$0x1], $0x80, v4, vm0, $0xb8;
	[tilespmem:$0x18100] =	vst v63  }
0x112: {  	_ = 	snop  }
0x113: {  	[hbm4b:s7+s2] =	stream.indirect_vreg.scatter [tilespmem:s14], [sflag:$0x1], $0x80, v4, vm0, $0xb8;
	[tilespmem:$0x18100] =	vst v63  }
0x114: {  	_ = 	snop  }
0x115: {  	[hbm4b:s3+s2] =	stream.indirect_vreg.scatter [tilespmem:s10], [sflag:$0x1], $0x80, v3, vm0, $0xb8;
	[tilespmem:$0x18100] =	vst v63  }
0x116: {  	_ = 	snop  }
0x117: {  	[hbm4b:s6+s2] =	stream.indirect_vreg.scatter [tilespmem:s5], [sflag:$0x1], $0x80, v3, vm0, $0xb8;
	[tilespmem:$0x18100] =	vst v63  }
0x118: {  	_ = 	snop  }
0x119: {  	[hbm4b:s7+s2] =	stream.indirect_vreg.scatter [tilespmem:s4], [sflag:$0x1], $0x80, v3, vm0, $0xb8;
	[tilespmem:$0x18100] =	vst v63  }
0x11a: {  	_ =	swait.ge [sflag:s15], $0xC000  }
0x11b: {  	[sflag:s15] =	ssyncset.done $0x0  }
0x11c: {  	s13 =	simm.s32 $0x80;
	s4 =	rddreg [dreg:$0x9];
	[sflag:s15] =	ssyncadd.s32 $0xFFFF4000  }
0x11d: {  	[tilespmem:s13], [sflag:$0x3] =	stream.linear.gather [hbm4b:s4+s2], $0x80, $0x38;
	[tilespmem:$0x18100] =	vst v63  }
0x11e: {  	_ =	swait.ge [sflag:s9], $0x80  }
0x11f: {  	[sflag:s9] =	ssyncset.done $0x0  }
0x120: {  	s4 =	rddreg [dreg:$0xa];
	[sflag:s9] =	ssyncadd.s32 $0xFFFFFF80  }
0x121: {  	[tilespmem:s1], [sflag:$0x3] =	stream.linear.gather [hbm4b:s4+s2], $0xC000, $0x38;
	[tilespmem:$0x18100] =	vst v63  }
0x122: {  	_ =	swait.ge [sflag:s9], $0xC000  }
0x123: {  	[sflag:s9] =	ssyncset.done $0x0  }
0x124: {  	[sflag:s9] =	ssyncadd.s32 $0xFFFF4000  }
0x125: {  	v3 =	vld [tilespmem:$0x80];
	_ =	sdelay $0x4  }
0x126: {  	v60 =	vshrl.u32 v3, $0x3  }
0x127: {  	v4 =	vmul.u32 $0x30, v60  }
0x128: {  	v3 =	vand.u32 $0x7, v3  }
0x129: {  	v3 =	vor.u32 v3, v4  }
0x12a: {  	v4 =	vperm.xlane v3, v0;
	_ =	sdelay $0x1  }
0x12b: {  	v4 =	vadd.s32 v1, v4;
	_ =	sdelay $0x3  }
0x12c: {  	v3 =	vperm.xlane v3, v2  }
0x12d: {  	[hbm4b:s3+s2] =	stream.indirect_vreg.scatter [tilespmem:s1], [sflag:$0x2], $0x80, v4, vm0, $0xb8;
	[tilespmem:$0x18100] =	vst v63  }
0x12e: {  	s13 =	simm.s32 $0xC900;
	v3 =	vadd.s32 v1, v3  }
0x12f: {  	[hbm4b:s6+s2] =	stream.indirect_vreg.scatter [tilespmem:s13], [sflag:$0x2], $0x80, v4, vm0, $0xb8;
	[tilespmem:$0x18100] =	vst v63  }
0x130: {  	s16 =	simm.s32 $0xD100  }
0x131: {  	[hbm4b:s7+s2] =	stream.indirect_vreg.scatter [tilespmem:s16], [sflag:$0x2], $0x80, v4, vm0, $0xb8;
	[tilespmem:$0x18100] =	vst v63  }
0x132: {  	s4 =	simm.s32 $0xD900  }
0x133: {  	[hbm4b:s3+s2] =	stream.indirect_vreg.scatter [tilespmem:s4], [sflag:$0x2], $0x80, v3, vm0, $0xb8;
	[tilespmem:$0x18100] =	vst v63  }
0x134: {  	s13 =	simm.s32 $0xE100  }
0x135: {  	[hbm4b:s6+s2] =	stream.indirect_vreg.scatter [tilespmem:s13], [sflag:$0x2], $0x80, v3, vm0, $0xb8;
	[tilespmem:$0x18100] =	vst v63  }
0x136: {  	s16 =	simm.s32 $0xE900  }
0x137: {  	[hbm4b:s7+s2] =	stream.indirect_vreg.scatter [tilespmem:s16], [sflag:$0x2], $0x80, v3, vm0, $0xb8;
	[tilespmem:$0x18100] =	vst v63  }
0x138: {  	v3 =	vld [tilespmem:$0x90];
	_ =	sdelay $0x4  }
0x139: {  	v61 =	vshrl.u32 v3, $0x3  }
0x13a: {  	v4 =	vmul.u32 $0x30, v61  }
0x13b: {  	v3 =	vand.u32 $0x7, v3  }
0x13c: {  	v3 =	vor.u32 v3, v4  }
0x13d: {  	v4 =	vperm.xlane v3, v0;
	_ =	sdelay $0x1  }
0x13e: {  	v4 =	vadd.s32 v1, v4;
	_ =	sdelay $0x3  }
0x13f: {  	s4 =	simm.s32 $0xF100;
	v3 =	vperm.xlane v3, v2  }
0x140: {  	[hbm4b:s3+s2] =	stream.indirect_vreg.scatter [tilespmem:s4], [sflag:$0x2], $0x80, v4, vm0, $0xb8;
	[tilespmem:$0x18100] =	vst v63  }
0x141: {  	s13 =	simm.s32 $0xF900;
	v3 =	vadd.s32 v1, v3  }
0x142: {  	[hbm4b:s6+s2] =	stream.indirect_vreg.scatter [tilespmem:s13], [sflag:$0x2], $0x80, v4, vm0, $0xb8;
	[tilespmem:$0x18100] =	vst v63  }
0x143: {  	s16 =	simm.s32 $0x10100  }
0x144: {  	[hbm4b:s7+s2] =	stream.indirect_vreg.scatter [tilespmem:s16], [sflag:$0x2], $0x80, v4, vm0, $0xb8;
	[tilespmem:$0x18100] =	vst v63  }
0x145: {  	s4 =	simm.s32 $0x10900  }
0x146: {  	[hbm4b:s3+s2] =	stream.indirect_vreg.scatter [tilespmem:s4], [sflag:$0x2], $0x80, v3, vm0, $0xb8;
	[tilespmem:$0x18100] =	vst v63  }
0x147: {  	s13 =	simm.s32 $0x11100  }
0x148: {  	[hbm4b:s6+s2] =	stream.indirect_vreg.scatter [tilespmem:s13], [sflag:$0x2], $0x80, v3, vm0, $0xb8;
	[tilespmem:$0x18100] =	vst v63  }
0x149: {  	s16 =	simm.s32 $0x11900  }
0x14a: {  	[hbm4b:s7+s2] =	stream.indirect_vreg.scatter [tilespmem:s16], [sflag:$0x2], $0x80, v3, vm0, $0xb8;
	[tilespmem:$0x18100] =	vst v63  }
0x14b: {  	v3 =	vld [tilespmem:$0xA0];
	_ =	sdelay $0x4  }
0x14c: {  	v62 =	vshrl.u32 v3, $0x3  }
0x14d: {  	v4 =	vmul.u32 $0x30, v62  }
0x14e: {  	v3 =	vand.u32 $0x7, v3  }
0x14f: {  	v3 =	vor.u32 v3, v4  }
0x150: {  	v4 =	vperm.xlane v3, v0;
	_ =	sdelay $0x1  }
0x151: {  	v4 =	vadd.s32 v1, v4;
	_ =	sdelay $0x3  }
0x152: {  	s4 =	simm.s32 $0x12100;
	v3 =	vperm.xlane v3, v2  }
0x153: {  	[hbm4b:s3+s2] =	stream.indirect_vreg.scatter [tilespmem:s4], [sflag:$0x2], $0x80, v4, vm0, $0xb8;
	[tilespmem:$0x18100] =	vst v63  }
0x154: {  	s13 =	simm.s32 $0x12900;
	v3 =	vadd.s32 v1, v3  }
0x155: {  	[hbm4b:s6+s2] =	stream.indirect_vreg.scatter [tilespmem:s13], [sflag:$0x2], $0x80, v4, vm0, $0xb8;
	[tilespmem:$0x18100] =	vst v63  }
0x156: {  	s16 =	simm.s32 $0x13100  }
0x157: {  	[hbm4b:s7+s2] =	stream.indirect_vreg.scatter [tilespmem:s16], [sflag:$0x2], $0x80, v4, vm0, $0xb8;
	[tilespmem:$0x18100] =	vst v63  }
0x158: {  	s4 =	simm.s32 $0x13900  }
0x159: {  	[hbm4b:s3+s2] =	stream.indirect_vreg.scatter [tilespmem:s4], [sflag:$0x2], $0x80, v3, vm0, $0xb8;
	[tilespmem:$0x18100] =	vst v63  }
0x15a: {  	s13 =	simm.s32 $0x14100  }
0x15b: {  	[hbm4b:s6+s2] =	stream.indirect_vreg.scatter [tilespmem:s13], [sflag:$0x2], $0x80, v3, vm0, $0xb8;
	[tilespmem:$0x18100] =	vst v63  }
0x15c: {  	s16 =	simm.s32 $0x14900  }
0x15d: {  	[hbm4b:s7+s2] =	stream.indirect_vreg.scatter [tilespmem:s16], [sflag:$0x2], $0x80, v3, vm0, $0xb8;
	[tilespmem:$0x18100] =	vst v63  }
0x15e: {  	v3 =	vld [tilespmem:$0xB0];
	_ =	sdelay $0x4  }
0x15f: {  	v63 =	vshrl.u32 v3, $0x3  }
0x160: {  	v4 =	vmul.u32 $0x30, v63  }
0x161: {  	v3 =	vand.u32 $0x7, v3  }
0x162: {  	v3 =	vor.u32 v3, v4  }
0x163: {  	v4 =	vperm.xlane v3, v0;
	_ =	sdelay $0x1  }
0x164: {  	v4 =	vadd.s32 v1, v4;
	_ =	sdelay $0x3  }
0x165: {  	s4 =	simm.s32 $0x15100;
	v3 =	vperm.xlane v3, v2  }
0x166: {  	[hbm4b:s3+s2] =	stream.indirect_vreg.scatter [tilespmem:s4], [sflag:$0x2], $0x80, v4, vm0, $0xb8;
	[tilespmem:$0x18100] =	vst v63  }
0x167: {  	s13 =	simm.s32 $0x15900;
	v3 =	vadd.s32 v1, v3  }
0x168: {  	[hbm4b:s6+s2] =	stream.indirect_vreg.scatter [tilespmem:s13], [sflag:$0x2], $0x80, v4, vm0, $0xb8;
	[tilespmem:$0x18100] =	vst v63  }
0x169: {  	s16 =	simm.s32 $0x16100  }
0x16a: {  	[hbm4b:s7+s2] =	stream.indirect_vreg.scatter [tilespmem:s16], [sflag:$0x2], $0x80, v4, vm0, $0xb8;
	[tilespmem:$0x18100] =	vst v63  }
0x16b: {  	s4 =	simm.s32 $0x16900  }
0x16c: {  	[hbm4b:s3+s2] =	stream.indirect_vreg.scatter [tilespmem:s4], [sflag:$0x2], $0x80, v3, vm0, $0xb8;
	[tilespmem:$0x18100] =	vst v63  }
0x16d: {  	s13 =	simm.s32 $0x17100  }
0x16e: {  	[hbm4b:s6+s2] =	stream.indirect_vreg.scatter [tilespmem:s13], [sflag:$0x2], $0x80, v3, vm0, $0xb8;
	[tilespmem:$0x18100] =	vst v63  }
0x16f: {  	s16 =	simm.s32 $0x17900  }
0x170: {  	[hbm4b:s7+s2] =	stream.indirect_vreg.scatter [tilespmem:s16], [sflag:$0x2], $0x80, v3, vm0, $0xb8;
	[tilespmem:$0x18100] =	vst v63  }
0x171: {  	p0 =	sne.s32 s8, $0x1;
	_ =	swait.ge [sflag:s0], $0xC000  }
.Ltmp0:
0x172: {  	[sflag:s0] =	ssyncset.done $0x0;
	(pc) =	sbr.rel @p0 .LBB2_1-.Ltmp0, $4  }
0x173: {  	[sflag:s0] =	ssyncadd.s32 $0xFFFF4000  }
0x174: {  	_ =	swait.ge [sflag:s15], $0xC000  }
0x175: {  	[sflag:s15] =	ssyncset.done $0x0  }
0x176: {  	s8 =	sadd.s32 $0xFFFFFFFF, s8;
	[sflag:s15] =	ssyncadd.s32 $0xFFFF4000  }
0x177: {  	_ =	sfence.sel $0x180000  }
0x178: {  	[bflag:$0x0] =	sbarrier.arrive $0xFFFF  }
0x179: {  	_ =	strace $0x90000047  }
0x17a: {  	s0 =	stileid.u32;
	[bflag:$0x2] =	sbarrier.arrive $0xFFFF  }
0x17b: {  	p0 =	sne.s32 s0, $0x0;
	s0 =	rddreg [dreg:$0x3]  }
0x17c: {  	s0 =	sadd.s32 @!p0 $0x100000, s0  }
0x17d: {  	[sflag:s0] =	ssyncadd.tile.s32 @!p0 $0x1;
	_ =	shalt  }
.Lfunc_end2:
_tile_overlayer_lowered:
.L_overlay_start_2:
0x17e: {  	(tag) =	ssettag $0x2  }
0x17f: {  	s0 =	rddreg [dreg:$0x0];
	s2 =	stileid.u32  }
0x180: {  	s1 =	rddreg [dreg:$0x1];
	p0 =	sne.s32 s2, $0x0  }
0x181: {  	s3 =	rddreg [dreg:$0x2];
	[bflag:$0x3] =	sbarrier.arrive $0xFFFF;
	s2 =	simm.s32 @!p0 $0x1C03  }
0x182: {  	[timem:s3], [sflag:s2] =	dma.local @!p0 [hbm:s0], s1  }
0x183: {  	s0 =	simm.s32 @!p0 $0x3  }
0x184: {  	_ =	swait.ge @!p0 [sflag:s0], s1  }
0x185: {  	s1 =	ssub.s32 @!p0 $0x0, s1;
	[sflag:s0] =	ssyncset.done @!p0 $0x0  }
0x186: {  	[sflag:s0] =	ssyncadd.s32 @!p0 s1  }
0x187: {  	[bflag:$0x3] =	sbarrier.arrive $0xFFFF  }
0x188: {  	_ =	shalt  }

</sc_bundles>
